<compile_context>
chip_gen: v7x
topology: tpu7x:2x2x1
jax: 0.10.2.dev20260603
libtpu: 0.0.44.dev20260713+nightly
codegen_flags: <defaults>
</compile_context>

<pallas_src>
import functools

import jax
import jax.numpy as jnp
from jax import lax
from jax.experimental import pallas as pl
from jax.experimental.pallas import tpu as pltpu
from jax.experimental.pallas import tpu_sc as plsc

_VOCAB = 1025
_HID = 768
_NTOK = 16384

_NC = 2
_NS = 16
_NW = _NC * _NS

_B_PER_W = _NTOK // _NW
_CHUNK = 32
_DEPTH = 4
_N_CHUNKS = _B_PER_W // _CHUNK


@functools.cache
def _build():
    mesh = plsc.VectorSubcoreMesh(core_axis_name="c", subcore_axis_name="s")

    @functools.partial(
        pl.kernel,
        mesh=mesh,
        out_type=jax.ShapeDtypeStruct((_NTOK, _HID), jnp.float32),
        scratch_types=[
            pltpu.VMEM((_B_PER_W,), jnp.int32),
            pltpu.VMEM((_DEPTH, _CHUNK, _HID), jnp.float32),
        ] + [pltpu.SemaphoreType.DMA] * (2 * _DEPTH),
    )
    def gather_kernel(table_hbm, idx_hbm, out_hbm, idx_v, rows_v, *sems):
        wid = lax.axis_index("s") * _NC + lax.axis_index("c")
        base = wid * _B_PER_W
        pltpu.sync_copy(idx_hbm.at[pl.ds(base, _B_PER_W)], idx_v)

        gsems = sems[:_DEPTH]
        ssems = sems[_DEPTH:]
        gathers = [None] * _DEPTH
        scatters = [None] * _DEPTH

        for i in range(_DEPTH - 1):
            gathers[i] = pltpu.async_copy(
                table_hbm.at[idx_v.at[pl.ds(i * _CHUNK, _CHUNK)]],
                rows_v.at[i], gsems[i])
        for i in range(_N_CHUNKS):
            buf = i % _DEPTH
            nxt = i + _DEPTH - 1
            if nxt < _N_CHUNKS:
                nbuf = nxt % _DEPTH
                if scatters[nbuf] is not None:
                    scatters[nbuf].wait()
                    scatters[nbuf] = None
                gathers[nbuf] = pltpu.async_copy(
                    table_hbm.at[idx_v.at[pl.ds(nxt * _CHUNK, _CHUNK)]],
                    rows_v.at[nbuf], gsems[nbuf])
            gathers[buf].wait()
            scatters[buf] = pltpu.async_copy(
                rows_v.at[buf], out_hbm.at[pl.ds(base + i * _CHUNK, _CHUNK)],
                ssems[buf])
        for s in scatters:
            if s is not None:
                s.wait()

    return gather_kernel


def kernel(input_ids, positions, embed_tokens):
    del positions
    return _build()(embed_tokens, input_ids.astype(jnp.int32))

# --- scband reference (transcript-rebuilt; emitter-appended) ---
"""Pipeline reference for scband-giga-amfor-transcription-15358803050886 (READ-ONLY COPY).

The authoritative reference and input builder live on the scoring server;
editing this copy changes nothing except your own understanding.
"""

import jax, jax.numpy as jnp
import numpy as np

VOCAB_SIZE = 1025
HIDDEN = 768
N_TOKENS = 16384


def setup_inputs(seed: int = 0) -> dict:
    key = jax.random.key(seed)
    k_ids, k_emb = jax.random.split(key, 2)
    input_ids = jax.random.randint(k_ids, (N_TOKENS,), 0, VOCAB_SIZE, dtype=jnp.int64 if jax.config.jax_enable_x64 else jnp.int32)
    positions = jnp.arange(N_TOKENS, dtype=input_ids.dtype)
    # embed_tokens weight, initialized like nn.init.normal_(std=0.02)
    embed_tokens = jax.random.normal(k_emb, (VOCAB_SIZE, HIDDEN), dtype=jnp.float32) * 0.02
    return {"input_ids": input_ids, "positions": positions, "embed_tokens": embed_tokens}


def reference(input_ids, positions, embed_tokens):
    # GigaAMForTranscription.forward: hidden = self.embed_tokens(input_ids)
    # positions is accepted but unused by the forward pass.
    hidden = jnp.take(embed_tokens, input_ids, axis=0)
    return hidden

if __name__ == "__main__":
    import jax
    _d = setup_inputs()
    print(jax.jit(kernel)(*tuple(_d.values())))

</pallas_src>

<mosaic_0001>
#map = affine_map<(d0, d1) -> (0, 0)>
#map1 = affine_map<(d0, d1) -> (0)>
module attributes {stable_mosaic.version = 14 : i64} {
  func.func @gather_kernel(%arg0: i32, %arg1: i32, %arg2: memref<1025x768xf32, #tpu.memory_space<hbm>>, %arg3: memref<16384xi32, #tpu.memory_space<hbm>>, %arg4: memref<16384x768xf32, #tpu.memory_space<hbm>>, %arg5: memref<512xi32, #tpu.memory_space<vmem>>, %arg6: memref<4x32x768xf32, #tpu.memory_space<vmem>>, %arg7: memref<!tpu.dma_semaphore, #tpu.memory_space<semaphore_mem>>, %arg8: memref<!tpu.dma_semaphore, #tpu.memory_space<semaphore_mem>>, %arg9: memref<!tpu.dma_semaphore, #tpu.memory_space<semaphore_mem>>, %arg10: memref<!tpu.dma_semaphore, #tpu.memory_space<semaphore_mem>>, %arg11: memref<!tpu.dma_semaphore, #tpu.memory_space<semaphore_mem>>, %arg12: memref<!tpu.dma_semaphore, #tpu.memory_space<semaphore_mem>>, %arg13: memref<!tpu.dma_semaphore, #tpu.memory_space<semaphore_mem>>, %arg14: memref<!tpu.dma_semaphore, #tpu.memory_space<semaphore_mem>>) attributes {dimension_semantics = [#tpu.dimension_semantics<core_parallel>, #tpu.dimension_semantics<subcore_parallel>], iteration_bounds = array<i64: 2, 16>, scalar_prefetch = 0 : i64, scratch_operands = 10 : i64, tpu.core_type = #tpu.core_type<sc_vector_subcore>, window_params = [{transform_indices = #map}, {transform_indices = #map1}, {transform_indices = #map}]} {
    %mul3A = arith.constant 2 : i32
    %mul3A_0 = arith.muli %arg1, %mul3A : i32
    %add3A = arith.addi %mul3A_0, %arg0 : i32
    %mul3A_1 = arith.constant 512 : i32
    %mul3A_2 = arith.muli %add3A, %mul3A_1 : i32
    "tpu.region"() ({
      %run_scoped3A = tpu.sem_alloc : memref<!tpu.dma_semaphore, #tpu.memory_space<semaphore_mem>>
      %dma_start3A_769 = tpu.memref_slice %arg3[%mul3A_2] : memref<16384xi32, #tpu.memory_space<hbm>> -> memref<512xi32, #tpu.memory_space<hbm>>
      %dma_start3A_770 = tpu.memref_slice %arg3[%mul3A_2] : memref<16384xi32, #tpu.memory_space<hbm>> -> memref<512xi32, #tpu.memory_space<hbm>>
      tpu.enqueue_dma source(%dma_start3A_770 : memref<512xi32, #tpu.memory_space<hbm>>) target(%arg5 : memref<512xi32, #tpu.memory_space<vmem>>) target_semaphore(%run_scoped3A : memref<!tpu.dma_semaphore, #tpu.memory_space<semaphore_mem>>)
      %dma_wait3A_771 = tpu.memref_slice %arg3[%mul3A_2] : memref<16384xi32, #tpu.memory_space<hbm>> -> memref<512xi32, #tpu.memory_space<hbm>>
      %dma_wait3A_772 = tpu.memref_slice %arg3[%mul3A_2] : memref<16384xi32, #tpu.memory_space<hbm>> -> memref<512xi32, #tpu.memory_space<hbm>>
      tpu.wait_dma2 semaphore(%run_scoped3A : memref<!tpu.dma_semaphore, #tpu.memory_space<semaphore_mem>>) src(%dma_wait3A_772 : memref<512xi32, #tpu.memory_space<hbm>>) dst(%arg5 : memref<512xi32, #tpu.memory_space<vmem>>)
      tpu.yield
    }) : () -> ()
    %dma_start3A = arith.constant 0 : i32
    %dma_start3A_3 = arith.constant 0 : i32
    %dma_start3A_4 = arith.constant 0 : i32
    %dma_start3A_5 = tpu.memref_slice %arg6[%dma_start3A, %dma_start3A_3, %dma_start3A_4] : memref<4x32x768xf32, #tpu.memory_space<vmem>> -> memref<1x32x768xf32, #tpu.memory_space<vmem>>
    %dma_start3A_6 = tpu.memref_squeeze %dma_start3A_5 : memref<1x32x768xf32, #tpu.memory_space<vmem>> -> memref<32x768xf32, #tpu.memory_space<vmem>>
    %dma_start3A_7 = arith.constant 0 : i32
    %dma_start3A_8 = tpu.memref_slice %arg5[%dma_start3A_7] : memref<512xi32, #tpu.memory_space<vmem>> -> memref<32xi32, #tpu.memory_space<vmem>>
    %dma_start3A_9 = arith.constant 0 : i32
    %dma_start3A_10 = arith.constant 0 : i32
    %dma_start3A_11 = tpu.memref_slice %arg2[%dma_start3A_9, %dma_start3A_10] : memref<1025x768xf32, #tpu.memory_space<hbm>> -> memref<1025x768xf32, #tpu.memory_space<hbm>>
    tpu.enqueue_indirect_dma source(%dma_start3A_11 : memref<1025x768xf32, #tpu.memory_space<hbm>>) target(%dma_start3A_6 : memref<32x768xf32, #tpu.memory_space<vmem>>) offsets(%dma_start3A_8 : memref<32xi32, #tpu.memory_space<vmem>>) semaphore(%arg7 : memref<!tpu.dma_semaphore, #tpu.memory_space<semaphore_mem>>)
    %dma_start3A_12 = arith.constant 1 : i32
    %dma_start3A_13 = arith.constant 0 : i32
    %dma_start3A_14 = arith.constant 0 : i32
    %dma_start3A_15 = tpu.memref_slice %arg6[%dma_start3A_12, %dma_start3A_13, %dma_start3A_14] : memref<4x32x768xf32, #tpu.memory_space<vmem>> -> memref<1x32x768xf32, #tpu.memory_space<vmem>>
    %dma_start3A_16 = tpu.memref_squeeze %dma_start3A_15 : memref<1x32x768xf32, #tpu.memory_space<vmem>> -> memref<32x768xf32, #tpu.memory_space<vmem>>
    %dma_start3A_17 = arith.constant 32 : i32
    %dma_start3A_18 = tpu.memref_slice %arg5[%dma_start3A_17] : memref<512xi32, #tpu.memory_space<vmem>> -> memref<32xi32, #tpu.memory_space<vmem>>
    %dma_start3A_19 = arith.constant 0 : i32
    %dma_start3A_20 = arith.constant 0 : i32
    %dma_start3A_21 = tpu.memref_slice %arg2[%dma_start3A_19, %dma_start3A_20] : memref<1025x768xf32, #tpu.memory_space<hbm>> -> memref<1025x768xf32, #tpu.memory_space<hbm>>
    tpu.enqueue_indirect_dma source(%dma_start3A_21 : memref<1025x768xf32, #tpu.memory_space<hbm>>) target(%dma_start3A_16 : memref<32x768xf32, #tpu.memory_space<vmem>>) offsets(%dma_start3A_18 : memref<32xi32, #tpu.memory_space<vmem>>) semaphore(%arg8 : memref<!tpu.dma_semaphore, #tpu.memory_space<semaphore_mem>>)
    %dma_start3A_22 = arith.constant 2 : i32
    %dma_start3A_23 = arith.constant 0 : i32
    %dma_start3A_24 = arith.constant 0 : i32
    %dma_start3A_25 = tpu.memref_slice %arg6[%dma_start3A_22, %dma_start3A_23, %dma_start3A_24] : memref<4x32x768xf32, #tpu.memory_space<vmem>> -> memref<1x32x768xf32, #tpu.memory_space<vmem>>
    %dma_start3A_26 = tpu.memref_squeeze %dma_start3A_25 : memref<1x32x768xf32, #tpu.memory_space<vmem>> -> memref<32x768xf32, #tpu.memory_space<vmem>>
    %dma_start3A_27 = arith.constant 64 : i32
    %dma_start3A_28 = tpu.memref_slice %arg5[%dma_start3A_27] : memref<512xi32, #tpu.memory_space<vmem>> -> memref<32xi32, #tpu.memory_space<vmem>>
    %dma_start3A_29 = arith.constant 0 : i32
    %dma_start3A_30 = arith.constant 0 : i32
    %dma_start3A_31 = tpu.memref_slice %arg2[%dma_start3A_29, %dma_start3A_30] : memref<1025x768xf32, #tpu.memory_space<hbm>> -> memref<1025x768xf32, #tpu.memory_space<hbm>>
    tpu.enqueue_indirect_dma source(%dma_start3A_31 : memref<1025x768xf32, #tpu.memory_space<hbm>>) target(%dma_start3A_26 : memref<32x768xf32, #tpu.memory_space<vmem>>) offsets(%dma_start3A_28 : memref<32xi32, #tpu.memory_space<vmem>>) semaphore(%arg9 : memref<!tpu.dma_semaphore, #tpu.memory_space<semaphore_mem>>)
    %dma_start3A_32 = arith.constant 3 : i32
    %dma_start3A_33 = arith.constant 0 : i32
    %dma_start3A_34 = arith.constant 0 : i32
    %dma_start3A_35 = tpu.memref_slice %arg6[%dma_start3A_32, %dma_start3A_33, %dma_start3A_34] : memref<4x32x768xf32, #tpu.memory_space<vmem>> -> memref<1x32x768xf32, #tpu.memory_space<vmem>>
    %dma_start3A_36 = tpu.memref_squeeze %dma_start3A_35 : memref<1x32x768xf32, #tpu.memory_space<vmem>> -> memref<32x768xf32, #tpu.memory_space<vmem>>
    %dma_start3A_37 = arith.constant 96 : i32
    %dma_start3A_38 = tpu.memref_slice %arg5[%dma_start3A_37] : memref<512xi32, #tpu.memory_space<vmem>> -> memref<32xi32, #tpu.memory_space<vmem>>
    %dma_start3A_39 = arith.constant 0 : i32
    %dma_start3A_40 = arith.constant 0 : i32
    %dma_start3A_41 = tpu.memref_slice %arg2[%dma_start3A_39, %dma_start3A_40] : memref<1025x768xf32, #tpu.memory_space<hbm>> -> memref<1025x768xf32, #tpu.memory_space<hbm>>
    tpu.enqueue_indirect_dma source(%dma_start3A_41 : memref<1025x768xf32, #tpu.memory_space<hbm>>) target(%dma_start3A_36 : memref<32x768xf32, #tpu.memory_space<vmem>>) offsets(%dma_start3A_38 : memref<32xi32, #tpu.memory_space<vmem>>) semaphore(%arg10 : memref<!tpu.dma_semaphore, #tpu.memory_space<semaphore_mem>>)
    %dma_wait3A = arith.constant 0 : i32
    %dma_wait3A_42 = arith.constant 0 : i32
    %dma_wait3A_43 = arith.constant 0 : i32
    %dma_wait3A_44 = tpu.memref_slice %arg6[%dma_wait3A, %dma_wait3A_42, %dma_wait3A_43] : memref<4x32x768xf32, #tpu.memory_space<vmem>> -> memref<1x32x768xf32, #tpu.memory_space<vmem>>
    %dma_wait3A_45 = tpu.memref_squeeze %dma_wait3A_44 : memref<1x32x768xf32, #tpu.memory_space<vmem>> -> memref<32x768xf32, #tpu.memory_space<vmem>>
    %dma_wait3A_46 = arith.constant 0 : i32
    %dma_wait3A_47 = tpu.memref_slice %arg5[%dma_wait3A_46] : memref<512xi32, #tpu.memory_space<vmem>> -> memref<32xi32, #tpu.memory_space<vmem>>
    %dma_wait3A_48 = arith.constant 0 : i32
    %dma_wait3A_49 = arith.constant 0 : i32
    %dma_wait3A_50 = tpu.memref_slice %arg2[%dma_wait3A_48, %dma_wait3A_49] : memref<1025x768xf32, #tpu.memory_space<hbm>> -> memref<1025x768xf32, #tpu.memory_space<hbm>>
    tpu.wait_indirect_dma semaphore(%arg7 : memref<!tpu.dma_semaphore, #tpu.memory_space<semaphore_mem>>) src(%dma_wait3A_50 : memref<1025x768xf32, #tpu.memory_space<hbm>>) dst(%dma_wait3A_45 : memref<32x768xf32, #tpu.memory_space<vmem>>)
    %add3A_51 = arith.constant 0 : i32
    %add3A_52 = arith.addi %mul3A_2, %add3A_51 : i32
    %dma_start3A_53 = arith.constant 0 : i32
    %dma_start3A_54 = arith.constant 0 : i32
    %dma_start3A_55 = arith.constant 0 : i32
    %dma_start3A_56 = tpu.memref_slice %arg6[%dma_start3A_53, %dma_start3A_54, %dma_start3A_55] : memref<4x32x768xf32, #tpu.memory_space<vmem>> -> memref<1x32x768xf32, #tpu.memory_space<vmem>>
    %dma_start3A_57 = tpu.memref_squeeze %dma_start3A_56 : memref<1x32x768xf32, #tpu.memory_space<vmem>> -> memref<32x768xf32, #tpu.memory_space<vmem>>
    %dma_start3A_58 = arith.constant 0 : i32
    %dma_start3A_59 = tpu.memref_slice %arg4[%add3A_52, %dma_start3A_58] : memref<16384x768xf32, #tpu.memory_space<hbm>> -> memref<32x768xf32, #tpu.memory_space<hbm>>
    %dma_start3A_60 = arith.constant 0 : i32
    %dma_start3A_61 = tpu.memref_slice %arg4[%add3A_52, %dma_start3A_60] : memref<16384x768xf32, #tpu.memory_space<hbm>> -> memref<32x768xf32, #tpu.memory_space<hbm>>
    %dma_start3A_62 = arith.constant 0 : i32
    %dma_start3A_63 = arith.constant 0 : i32
    %dma_start3A_64 = tpu.memref_slice %arg6[%dma_start3A_53, %dma_start3A_62, %dma_start3A_63] : memref<4x32x768xf32, #tpu.memory_space<vmem>> -> memref<1x32x768xf32, #tpu.memory_space<vmem>>
    %dma_start3A_65 = tpu.memref_squeeze %dma_start3A_64 : memref<1x32x768xf32, #tpu.memory_space<vmem>> -> memref<32x768xf32, #tpu.memory_space<vmem>>
    tpu.enqueue_dma source(%dma_start3A_65 : memref<32x768xf32, #tpu.memory_space<vmem>>) target(%dma_start3A_61 : memref<32x768xf32, #tpu.memory_space<hbm>>) target_semaphore(%arg11 : memref<!tpu.dma_semaphore, #tpu.memory_space<semaphore_mem>>)
    %dma_wait3A_66 = arith.constant 0 : i32
    %dma_wait3A_67 = arith.constant 0 : i32
    %dma_wait3A_68 = arith.constant 0 : i32
    %dma_wait3A_69 = tpu.memref_slice %arg6[%dma_wait3A_66, %dma_wait3A_67, %dma_wait3A_68] : memref<4x32x768xf32, #tpu.memory_space<vmem>> -> memref<1x32x768xf32, #tpu.memory_space<vmem>>
    %dma_wait3A_70 = tpu.memref_squeeze %dma_wait3A_69 : memref<1x32x768xf32, #tpu.memory_space<vmem>> -> memref<32x768xf32, #tpu.memory_space<vmem>>
    %dma_wait3A_71 = arith.constant 0 : i32
    %dma_wait3A_72 = tpu.memref_slice %arg4[%add3A_52, %dma_wait3A_71] : memref<16384x768xf32, #tpu.memory_space<hbm>> -> memref<32x768xf32, #tpu.memory_space<hbm>>
    %dma_wait3A_73 = arith.constant 0 : i32
    %dma_wait3A_74 = tpu.memref_slice %arg4[%add3A_52, %dma_wait3A_73] : memref<16384x768xf32, #tpu.memory_space<hbm>> -> memref<32x768xf32, #tpu.memory_space<hbm>>
    %dma_wait3A_75 = arith.constant 0 : i32
    %dma_wait3A_76 = arith.constant 0 : i32
    %dma_wait3A_77 = tpu.memref_slice %arg6[%dma_wait3A_66, %dma_wait3A_75, %dma_wait3A_76] : memref<4x32x768xf32, #tpu.memory_space<vmem>> -> memref<1x32x768xf32, #tpu.memory_space<vmem>>
    %dma_wait3A_78 = tpu.memref_squeeze %dma_wait3A_77 : memref<1x32x768xf32, #tpu.memory_space<vmem>> -> memref<32x768xf32, #tpu.memory_space<vmem>>
    tpu.wait_dma2 semaphore(%arg11 : memref<!tpu.dma_semaphore, #tpu.memory_space<semaphore_mem>>) src(%dma_wait3A_78 : memref<32x768xf32, #tpu.memory_space<vmem>>) dst(%dma_wait3A_74 : memref<32x768xf32, #tpu.memory_space<hbm>>)
    %dma_start3A_79 = arith.constant 0 : i32
    %dma_start3A_80 = arith.constant 0 : i32
    %dma_start3A_81 = arith.constant 0 : i32
    %dma_start3A_82 = tpu.memref_slice %arg6[%dma_start3A_79, %dma_start3A_80, %dma_start3A_81] : memref<4x32x768xf32, #tpu.memory_space<vmem>> -> memref<1x32x768xf32, #tpu.memory_space<vmem>>
    %dma_start3A_83 = tpu.memref_squeeze %dma_start3A_82 : memref<1x32x768xf32, #tpu.memory_space<vmem>> -> memref<32x768xf32, #tpu.memory_space<vmem>>
    %dma_start3A_84 = arith.constant 128 : i32
    %dma_start3A_85 = tpu.memref_slice %arg5[%dma_start3A_84] : memref<512xi32, #tpu.memory_space<vmem>> -> memref<32xi32, #tpu.memory_space<vmem>>
    %dma_start3A_86 = arith.constant 0 : i32
    %dma_start3A_87 = arith.constant 0 : i32
    %dma_start3A_88 = tpu.memref_slice %arg2[%dma_start3A_86, %dma_start3A_87] : memref<1025x768xf32, #tpu.memory_space<hbm>> -> memref<1025x768xf32, #tpu.memory_space<hbm>>
    tpu.enqueue_indirect_dma source(%dma_start3A_88 : memref<1025x768xf32, #tpu.memory_space<hbm>>) target(%dma_start3A_83 : memref<32x768xf32, #tpu.memory_space<vmem>>) offsets(%dma_start3A_85 : memref<32xi32, #tpu.memory_space<vmem>>) semaphore(%arg7 : memref<!tpu.dma_semaphore, #tpu.memory_space<semaphore_mem>>)
    %dma_wait3A_89 = arith.constant 1 : i32
    %dma_wait3A_90 = arith.constant 0 : i32
    %dma_wait3A_91 = arith.constant 0 : i32
    %dma_wait3A_92 = tpu.memref_slice %arg6[%dma_wait3A_89, %dma_wait3A_90, %dma_wait3A_91] : memref<4x32x768xf32, #tpu.memory_space<vmem>> -> memref<1x32x768xf32, #tpu.memory_space<vmem>>
    %dma_wait3A_93 = tpu.memref_squeeze %dma_wait3A_92 : memref<1x32x768xf32, #tpu.memory_space<vmem>> -> memref<32x768xf32, #tpu.memory_space<vmem>>
    %dma_wait3A_94 = arith.constant 32 : i32
    %dma_wait3A_95 = tpu.memref_slice %arg5[%dma_wait3A_94] : memref<512xi32, #tpu.memory_space<vmem>> -> memref<32xi32, #tpu.memory_space<vmem>>
    %dma_wait3A_96 = arith.constant 0 : i32
    %dma_wait3A_97 = arith.constant 0 : i32
    %dma_wait3A_98 = tpu.memref_slice %arg2[%dma_wait3A_96, %dma_wait3A_97] : memref<1025x768xf32, #tpu.memory_space<hbm>> -> memref<1025x768xf32, #tpu.memory_space<hbm>>
    tpu.wait_indirect_dma semaphore(%arg8 : memref<!tpu.dma_semaphore, #tpu.memory_space<semaphore_mem>>) src(%dma_wait3A_98 : memref<1025x768xf32, #tpu.memory_space<hbm>>) dst(%dma_wait3A_93 : memref<32x768xf32, #tpu.memory_space<vmem>>)
    %add3A_99 = arith.constant 32 : i32
    %add3A_100 = arith.addi %mul3A_2, %add3A_99 : i32
    %dma_start3A_101 = arith.constant 1 : i32
    %dma_start3A_102 = arith.constant 0 : i32
    %dma_start3A_103 = arith.constant 0 : i32
    %dma_start3A_104 = tpu.memref_slice %arg6[%dma_start3A_101, %dma_start3A_102, %dma_start3A_103] : memref<4x32x768xf32, #tpu.memory_space<vmem>> -> memref<1x32x768xf32, #tpu.memory_space<vmem>>
    %dma_start3A_105 = tpu.memref_squeeze %dma_start3A_104 : memref<1x32x768xf32, #tpu.memory_space<vmem>> -> memref<32x768xf32, #tpu.memory_space<vmem>>
    %dma_start3A_106 = arith.constant 0 : i32
    %dma_start3A_107 = tpu.memref_slice %arg4[%add3A_100, %dma_start3A_106] : memref<16384x768xf32, #tpu.memory_space<hbm>> -> memref<32x768xf32, #tpu.memory_space<hbm>>
    %dma_start3A_108 = arith.constant 0 : i32
    %dma_start3A_109 = tpu.memref_slice %arg4[%add3A_100, %dma_start3A_108] : memref<16384x768xf32, #tpu.memory_space<hbm>> -> memref<32x768xf32, #tpu.memory_space<hbm>>
    %dma_start3A_110 = arith.constant 0 : i32
    %dma_start3A_111 = arith.constant 0 : i32
    %dma_start3A_112 = tpu.memref_slice %arg6[%dma_start3A_101, %dma_start3A_110, %dma_start3A_111] : memref<4x32x768xf32, #tpu.memory_space<vmem>> -> memref<1x32x768xf32, #tpu.memory_space<vmem>>
    %dma_start3A_113 = tpu.memref_squeeze %dma_start3A_112 : memref<1x32x768xf32, #tpu.memory_space<vmem>> -> memref<32x768xf32, #tpu.memory_space<vmem>>
    tpu.enqueue_dma source(%dma_start3A_113 : memref<32x768xf32, #tpu.memory_space<vmem>>) target(%dma_start3A_109 : memref<32x768xf32, #tpu.memory_space<hbm>>) target_semaphore(%arg12 : memref<!tpu.dma_semaphore, #tpu.memory_space<semaphore_mem>>)
    %dma_wait3A_114 = arith.constant 1 : i32
    %dma_wait3A_115 = arith.constant 0 : i32
    %dma_wait3A_116 = arith.constant 0 : i32
    %dma_wait3A_117 = tpu.memref_slice %arg6[%dma_wait3A_114, %dma_wait3A_115, %dma_wait3A_116] : memref<4x32x768xf32, #tpu.memory_space<vmem>> -> memref<1x32x768xf32, #tpu.memory_space<vmem>>
    %dma_wait3A_118 = tpu.memref_squeeze %dma_wait3A_117 : memref<1x32x768xf32, #tpu.memory_space<vmem>> -> memref<32x768xf32, #tpu.memory_space<vmem>>
    %dma_wait3A_119 = arith.constant 0 : i32
    %dma_wait3A_120 = tpu.memref_slice %arg4[%add3A_100, %dma_wait3A_119] : memref<16384x768xf32, #tpu.memory_space<hbm>> -> memref<32x768xf32, #tpu.memory_space<hbm>>
    %dma_wait3A_121 = arith.constant 0 : i32
    %dma_wait3A_122 = tpu.memref_slice %arg4[%add3A_100, %dma_wait3A_121] : memref<16384x768xf32, #tpu.memory_space<hbm>> -> memref<32x768xf32, #tpu.memory_space<hbm>>
    %dma_wait3A_123 = arith.constant 0 : i32
    %dma_wait3A_124 = arith.constant 0 : i32
    %dma_wait3A_125 = tpu.memref_slice %arg6[%dma_wait3A_114, %dma_wait3A_123, %dma_wait3A_124] : memref<4x32x768xf32, #tpu.memory_space<vmem>> -> memref<1x32x768xf32, #tpu.memory_space<vmem>>
    %dma_wait3A_126 = tpu.memref_squeeze %dma_wait3A_125 : memref<1x32x768xf32, #tpu.memory_space<vmem>> -> memref<32x768xf32, #tpu.memory_space<vmem>>
    tpu.wait_dma2 semaphore(%arg12 : memref<!tpu.dma_semaphore, #tpu.memory_space<semaphore_mem>>) src(%dma_wait3A_126 : memref<32x768xf32, #tpu.memory_space<vmem>>) dst(%dma_wait3A_122 : memref<32x768xf32, #tpu.memory_space<hbm>>)
    %dma_start3A_127 = arith.constant 1 : i32
    %dma_start3A_128 = arith.constant 0 : i32
    %dma_start3A_129 = arith.constant 0 : i32
    %dma_start3A_130 = tpu.memref_slice %arg6[%dma_start3A_127, %dma_start3A_128, %dma_start3A_129] : memref<4x32x768xf32, #tpu.memory_space<vmem>> -> memref<1x32x768xf32, #tpu.memory_space<vmem>>
    %dma_start3A_131 = tpu.memref_squeeze %dma_start3A_130 : memref<1x32x768xf32, #tpu.memory_space<vmem>> -> memref<32x768xf32, #tpu.memory_space<vmem>>
    %dma_start3A_132 = arith.constant 160 : i32
    %dma_start3A_133 = tpu.memref_slice %arg5[%dma_start3A_132] : memref<512xi32, #tpu.memory_space<vmem>> -> memref<32xi32, #tpu.memory_space<vmem>>
    %dma_start3A_134 = arith.constant 0 : i32
    %dma_start3A_135 = arith.constant 0 : i32
    %dma_start3A_136 = tpu.memref_slice %arg2[%dma_start3A_134, %dma_start3A_135] : memref<1025x768xf32, #tpu.memory_space<hbm>> -> memref<1025x768xf32, #tpu.memory_space<hbm>>
    tpu.enqueue_indirect_dma source(%dma_start3A_136 : memref<1025x768xf32, #tpu.memory_space<hbm>>) target(%dma_start3A_131 : memref<32x768xf32, #tpu.memory_space<vmem>>) offsets(%dma_start3A_133 : memref<32xi32, #tpu.memory_space<vmem>>) semaphore(%arg8 : memref<!tpu.dma_semaphore, #tpu.memory_space<semaphore_mem>>)
    %dma_wait3A_137 = arith.constant 2 : i32
    %dma_wait3A_138 = arith.constant 0 : i32
    %dma_wait3A_139 = arith.constant 0 : i32
    %dma_wait3A_140 = tpu.memref_slice %arg6[%dma_wait3A_137, %dma_wait3A_138, %dma_wait3A_139] : memref<4x32x768xf32, #tpu.memory_space<vmem>> -> memref<1x32x768xf32, #tpu.memory_space<vmem>>
    %dma_wait3A_141 = tpu.memref_squeeze %dma_wait3A_140 : memref<1x32x768xf32, #tpu.memory_space<vmem>> -> memref<32x768xf32, #tpu.memory_space<vmem>>
    %dma_wait3A_142 = arith.constant 64 : i32
    %dma_wait3A_143 = tpu.memref_slice %arg5[%dma_wait3A_142] : memref<512xi32, #tpu.memory_space<vmem>> -> memref<32xi32, #tpu.memory_space<vmem>>
    %dma_wait3A_144 = arith.constant 0 : i32
    %dma_wait3A_145 = arith.constant 0 : i32
    %dma_wait3A_146 = tpu.memref_slice %arg2[%dma_wait3A_144, %dma_wait3A_145] : memref<1025x768xf32, #tpu.memory_space<hbm>> -> memref<1025x768xf32, #tpu.memory_space<hbm>>
    tpu.wait_indirect_dma semaphore(%arg9 : memref<!tpu.dma_semaphore, #tpu.memory_space<semaphore_mem>>) src(%dma_wait3A_146 : memref<1025x768xf32, #tpu.memory_space<hbm>>) dst(%dma_wait3A_141 : memref<32x768xf32, #tpu.memory_space<vmem>>)
    %add3A_147 = arith.constant 64 : i32
    %add3A_148 = arith.addi %mul3A_2, %add3A_147 : i32
    %dma_start3A_149 = arith.constant 2 : i32
    %dma_start3A_150 = arith.constant 0 : i32
    %dma_start3A_151 = arith.constant 0 : i32
    %dma_start3A_152 = tpu.memref_slice %arg6[%dma_start3A_149, %dma_start3A_150, %dma_start3A_151] : memref<4x32x768xf32, #tpu.memory_space<vmem>> -> memref<1x32x768xf32, #tpu.memory_space<vmem>>
    %dma_start3A_153 = tpu.memref_squeeze %dma_start3A_152 : memref<1x32x768xf32, #tpu.memory_space<vmem>> -> memref<32x768xf32, #tpu.memory_space<vmem>>
    %dma_start3A_154 = arith.constant 0 : i32
    %dma_start3A_155 = tpu.memref_slice %arg4[%add3A_148, %dma_start3A_154] : memref<16384x768xf32, #tpu.memory_space<hbm>> -> memref<32x768xf32, #tpu.memory_space<hbm>>
    %dma_start3A_156 = arith.constant 0 : i32
    %dma_start3A_157 = tpu.memref_slice %arg4[%add3A_148, %dma_start3A_156] : memref<16384x768xf32, #tpu.memory_space<hbm>> -> memref<32x768xf32, #tpu.memory_space<hbm>>
    %dma_start3A_158 = arith.constant 0 : i32
    %dma_start3A_159 = arith.constant 0 : i32
    %dma_start3A_160 = tpu.memref_slice %arg6[%dma_start3A_149, %dma_start3A_158, %dma_start3A_159] : memref<4x32x768xf32, #tpu.memory_space<vmem>> -> memref<1x32x768xf32, #tpu.memory_space<vmem>>
    %dma_start3A_161 = tpu.memref_squeeze %dma_start3A_160 : memref<1x32x768xf32, #tpu.memory_space<vmem>> -> memref<32x768xf32, #tpu.memory_space<vmem>>
    tpu.enqueue_dma source(%dma_start3A_161 : memref<32x768xf32, #tpu.memory_space<vmem>>) target(%dma_start3A_157 : memref<32x768xf32, #tpu.memory_space<hbm>>) target_semaphore(%arg13 : memref<!tpu.dma_semaphore, #tpu.memory_space<semaphore_mem>>)
    %dma_wait3A_162 = arith.constant 2 : i32
    %dma_wait3A_163 = arith.constant 0 : i32
    %dma_wait3A_164 = arith.constant 0 : i32
    %dma_wait3A_165 = tpu.memref_slice %arg6[%dma_wait3A_162, %dma_wait3A_163, %dma_wait3A_164] : memref<4x32x768xf32, #tpu.memory_space<vmem>> -> memref<1x32x768xf32, #tpu.memory_space<vmem>>
    %dma_wait3A_166 = tpu.memref_squeeze %dma_wait3A_165 : memref<1x32x768xf32, #tpu.memory_space<vmem>> -> memref<32x768xf32, #tpu.memory_space<vmem>>
    %dma_wait3A_167 = arith.constant 0 : i32
    %dma_wait3A_168 = tpu.memref_slice %arg4[%add3A_148, %dma_wait3A_167] : memref<16384x768xf32, #tpu.memory_space<hbm>> -> memref<32x768xf32, #tpu.memory_space<hbm>>
    %dma_wait3A_169 = arith.constant 0 : i32
    %dma_wait3A_170 = tpu.memref_slice %arg4[%add3A_148, %dma_wait3A_169] : memref<16384x768xf32, #tpu.memory_space<hbm>> -> memref<32x768xf32, #tpu.memory_space<hbm>>
    %dma_wait3A_171 = arith.constant 0 : i32
    %dma_wait3A_172 = arith.constant 0 : i32
    %dma_wait3A_173 = tpu.memref_slice %arg6[%dma_wait3A_162, %dma_wait3A_171, %dma_wait3A_172] : memref<4x32x768xf32, #tpu.memory_space<vmem>> -> memref<1x32x768xf32, #tpu.memory_space<vmem>>
    %dma_wait3A_174 = tpu.memref_squeeze %dma_wait3A_173 : memref<1x32x768xf32, #tpu.memory_space<vmem>> -> memref<32x768xf32, #tpu.memory_space<vmem>>
    tpu.wait_dma2 semaphore(%arg13 : memref<!tpu.dma_semaphore, #tpu.memory_space<semaphore_mem>>) src(%dma_wait3A_174 : memref<32x768xf32, #tpu.memory_space<vmem>>) dst(%dma_wait3A_170 : memref<32x768xf32, #tpu.memory_space<hbm>>)
    %dma_start3A_175 = arith.constant 2 : i32
    %dma_start3A_176 = arith.constant 0 : i32
    %dma_start3A_177 = arith.constant 0 : i32
    %dma_start3A_178 = tpu.memref_slice %arg6[%dma_start3A_175, %dma_start3A_176, %dma_start3A_177] : memref<4x32x768xf32, #tpu.memory_space<vmem>> -> memref<1x32x768xf32, #tpu.memory_space<vmem>>
    %dma_start3A_179 = tpu.memref_squeeze %dma_start3A_178 : memref<1x32x768xf32, #tpu.memory_space<vmem>> -> memref<32x768xf32, #tpu.memory_space<vmem>>
    %dma_start3A_180 = arith.constant 192 : i32
    %dma_start3A_181 = tpu.memref_slice %arg5[%dma_start3A_180] : memref<512xi32, #tpu.memory_space<vmem>> -> memref<32xi32, #tpu.memory_space<vmem>>
    %dma_start3A_182 = arith.constant 0 : i32
    %dma_start3A_183 = arith.constant 0 : i32
    %dma_start3A_184 = tpu.memref_slice %arg2[%dma_start3A_182, %dma_start3A_183] : memref<1025x768xf32, #tpu.memory_space<hbm>> -> memref<1025x768xf32, #tpu.memory_space<hbm>>
    tpu.enqueue_indirect_dma source(%dma_start3A_184 : memref<1025x768xf32, #tpu.memory_space<hbm>>) target(%dma_start3A_179 : memref<32x768xf32, #tpu.memory_space<vmem>>) offsets(%dma_start3A_181 : memref<32xi32, #tpu.memory_space<vmem>>) semaphore(%arg9 : memref<!tpu.dma_semaphore, #tpu.memory_space<semaphore_mem>>)
    %dma_wait3A_185 = arith.constant 3 : i32
    %dma_wait3A_186 = arith.constant 0 : i32
    %dma_wait3A_187 = arith.constant 0 : i32
    %dma_wait3A_188 = tpu.memref_slice %arg6[%dma_wait3A_185, %dma_wait3A_186, %dma_wait3A_187] : memref<4x32x768xf32, #tpu.memory_space<vmem>> -> memref<1x32x768xf32, #tpu.memory_space<vmem>>
    %dma_wait3A_189 = tpu.memref_squeeze %dma_wait3A_188 : memref<1x32x768xf32, #tpu.memory_space<vmem>> -> memref<32x768xf32, #tpu.memory_space<vmem>>
    %dma_wait3A_190 = arith.constant 96 : i32
    %dma_wait3A_191 = tpu.memref_slice %arg5[%dma_wait3A_190] : memref<512xi32, #tpu.memory_space<vmem>> -> memref<32xi32, #tpu.memory_space<vmem>>
    %dma_wait3A_192 = arith.constant 0 : i32
    %dma_wait3A_193 = arith.constant 0 : i32
    %dma_wait3A_194 = tpu.memref_slice %arg2[%dma_wait3A_192, %dma_wait3A_193] : memref<1025x768xf32, #tpu.memory_space<hbm>> -> memref<1025x768xf32, #tpu.memory_space<hbm>>
    tpu.wait_indirect_dma semaphore(%arg10 : memref<!tpu.dma_semaphore, #tpu.memory_space<semaphore_mem>>) src(%dma_wait3A_194 : memref<1025x768xf32, #tpu.memory_space<hbm>>) dst(%dma_wait3A_189 : memref<32x768xf32, #tpu.memory_space<vmem>>)
    %add3A_195 = arith.constant 96 : i32
    %add3A_196 = arith.addi %mul3A_2, %add3A_195 : i32
    %dma_start3A_197 = arith.constant 3 : i32
    %dma_start3A_198 = arith.constant 0 : i32
    %dma_start3A_199 = arith.constant 0 : i32
    %dma_start3A_200 = tpu.memref_slice %arg6[%dma_start3A_197, %dma_start3A_198, %dma_start3A_199] : memref<4x32x768xf32, #tpu.memory_space<vmem>> -> memref<1x32x768xf32, #tpu.memory_space<vmem>>
    %dma_start3A_201 = tpu.memref_squeeze %dma_start3A_200 : memref<1x32x768xf32, #tpu.memory_space<vmem>> -> memref<32x768xf32, #tpu.memory_space<vmem>>
    %dma_start3A_202 = arith.constant 0 : i32
    %dma_start3A_203 = tpu.memref_slice %arg4[%add3A_196, %dma_start3A_202] : memref<16384x768xf32, #tpu.memory_space<hbm>> -> memref<32x768xf32, #tpu.memory_space<hbm>>
    %dma_start3A_204 = arith.constant 0 : i32
    %dma_start3A_205 = tpu.memref_slice %arg4[%add3A_196, %dma_start3A_204] : memref<16384x768xf32, #tpu.memory_space<hbm>> -> memref<32x768xf32, #tpu.memory_space<hbm>>
    %dma_start3A_206 = arith.constant 0 : i32
    %dma_start3A_207 = arith.constant 0 : i32
    %dma_start3A_208 = tpu.memref_slice %arg6[%dma_start3A_197, %dma_start3A_206, %dma_start3A_207] : memref<4x32x768xf32, #tpu.memory_space<vmem>> -> memref<1x32x768xf32, #tpu.memory_space<vmem>>
    %dma_start3A_209 = tpu.memref_squeeze %dma_start3A_208 : memref<1x32x768xf32, #tpu.memory_space<vmem>> -> memref<32x768xf32, #tpu.memory_space<vmem>>
    tpu.enqueue_dma source(%dma_start3A_209 : memref<32x768xf32, #tpu.memory_space<vmem>>) target(%dma_start3A_205 : memref<32x768xf32, #tpu.memory_space<hbm>>) target_semaphore(%arg14 : memref<!tpu.dma_semaphore, #tpu.memory_space<semaphore_mem>>)
    %dma_wait3A_210 = arith.constant 3 : i32
    %dma_wait3A_211 = arith.constant 0 : i32
    %dma_wait3A_212 = arith.constant 0 : i32
    %dma_wait3A_213 = tpu.memref_slice %arg6[%dma_wait3A_210, %dma_wait3A_211, %dma_wait3A_212] : memref<4x32x768xf32, #tpu.memory_space<vmem>> -> memref<1x32x768xf32, #tpu.memory_space<vmem>>
    %dma_wait3A_214 = tpu.memref_squeeze %dma_wait3A_213 : memref<1x32x768xf32, #tpu.memory_space<vmem>> -> memref<32x768xf32, #tpu.memory_space<vmem>>
    %dma_wait3A_215 = arith.constant 0 : i32
    %dma_wait3A_216 = tpu.memref_slice %arg4[%add3A_196, %dma_wait3A_215] : memref<16384x768xf32, #tpu.memory_space<hbm>> -> memref<32x768xf32, #tpu.memory_space<hbm>>
    %dma_wait3A_217 = arith.constant 0 : i32
    %dma_wait3A_218 = tpu.memref_slice %arg4[%add3A_196, %dma_wait3A_217] : memref<16384x768xf32, #tpu.memory_space<hbm>> -> memref<32x768xf32, #tpu.memory_space<hbm>>
    %dma_wait3A_219 = arith.constant 0 : i32
    %dma_wait3A_220 = arith.constant 0 : i32
    %dma_wait3A_221 = tpu.memref_slice %arg6[%dma_wait3A_210, %dma_wait3A_219, %dma_wait3A_220] : memref<4x32x768xf32, #tpu.memory_space<vmem>> -> memref<1x32x768xf32, #tpu.memory_space<vmem>>
    %dma_wait3A_222 = tpu.memref_squeeze %dma_wait3A_221 : memref<1x32x768xf32, #tpu.memory_space<vmem>> -> memref<32x768xf32, #tpu.memory_space<vmem>>
    tpu.wait_dma2 semaphore(%arg14 : memref<!tpu.dma_semaphore, #tpu.memory_space<semaphore_mem>>) src(%dma_wait3A_222 : memref<32x768xf32, #tpu.memory_space<vmem>>) dst(%dma_wait3A_218 : memref<32x768xf32, #tpu.memory_space<hbm>>)
    %dma_start3A_223 = arith.constant 3 : i32
    %dma_start3A_224 = arith.constant 0 : i32
    %dma_start3A_225 = arith.constant 0 : i32
    %dma_start3A_226 = tpu.memref_slice %arg6[%dma_start3A_223, %dma_start3A_224, %dma_start3A_225] : memref<4x32x768xf32, #tpu.memory_space<vmem>> -> memref<1x32x768xf32, #tpu.memory_space<vmem>>
    %dma_start3A_227 = tpu.memref_squeeze %dma_start3A_226 : memref<1x32x768xf32, #tpu.memory_space<vmem>> -> memref<32x768xf32, #tpu.memory_space<vmem>>
    %dma_start3A_228 = arith.constant 224 : i32
    %dma_start3A_229 = tpu.memref_slice %arg5[%dma_start3A_228] : memref<512xi32, #tpu.memory_space<vmem>> -> memref<32xi32, #tpu.memory_space<vmem>>
    %dma_start3A_230 = arith.constant 0 : i32
    %dma_start3A_231 = arith.constant 0 : i32
    %dma_start3A_232 = tpu.memref_slice %arg2[%dma_start3A_230, %dma_start3A_231] : memref<1025x768xf32, #tpu.memory_space<hbm>> -> memref<1025x768xf32, #tpu.memory_space<hbm>>
    tpu.enqueue_indirect_dma source(%dma_start3A_232 : memref<1025x768xf32, #tpu.memory_space<hbm>>) target(%dma_start3A_227 : memref<32x768xf32, #tpu.memory_space<vmem>>) offsets(%dma_start3A_229 : memref<32xi32, #tpu.memory_space<vmem>>) semaphore(%arg10 : memref<!tpu.dma_semaphore, #tpu.memory_space<semaphore_mem>>)
    %dma_wait3A_233 = arith.constant 0 : i32
    %dma_wait3A_234 = arith.constant 0 : i32
    %dma_wait3A_235 = arith.constant 0 : i32
    %dma_wait3A_236 = tpu.memref_slice %arg6[%dma_wait3A_233, %dma_wait3A_234, %dma_wait3A_235] : memref<4x32x768xf32, #tpu.memory_space<vmem>> -> memref<1x32x768xf32, #tpu.memory_space<vmem>>
    %dma_wait3A_237 = tpu.memref_squeeze %dma_wait3A_236 : memref<1x32x768xf32, #tpu.memory_space<vmem>> -> memref<32x768xf32, #tpu.memory_space<vmem>>
    %dma_wait3A_238 = arith.constant 128 : i32
    %dma_wait3A_239 = tpu.memref_slice %arg5[%dma_wait3A_238] : memref<512xi32, #tpu.memory_space<vmem>> -> memref<32xi32, #tpu.memory_space<vmem>>
    %dma_wait3A_240 = arith.constant 0 : i32
    %dma_wait3A_241 = arith.constant 0 : i32
    %dma_wait3A_242 = tpu.memref_slice %arg2[%dma_wait3A_240, %dma_wait3A_241] : memref<1025x768xf32, #tpu.memory_space<hbm>> -> memref<1025x768xf32, #tpu.memory_space<hbm>>
    tpu.wait_indirect_dma semaphore(%arg7 : memref<!tpu.dma_semaphore, #tpu.memory_space<semaphore_mem>>) src(%dma_wait3A_242 : memref<1025x768xf32, #tpu.memory_space<hbm>>) dst(%dma_wait3A_237 : memref<32x768xf32, #tpu.memory_space<vmem>>)
    %add3A_243 = arith.constant 128 : i32
    %add3A_244 = arith.addi %mul3A_2, %add3A_243 : i32
    %dma_start3A_245 = arith.constant 0 : i32
    %dma_start3A_246 = arith.constant 0 : i32
    %dma_start3A_247 = arith.constant 0 : i32
    %dma_start3A_248 = tpu.memref_slice %arg6[%dma_start3A_245, %dma_start3A_246, %dma_start3A_247] : memref<4x32x768xf32, #tpu.memory_space<vmem>> -> memref<1x32x768xf32, #tpu.memory_space<vmem>>
    %dma_start3A_249 = tpu.memref_squeeze %dma_start3A_248 : memref<1x32x768xf32, #tpu.memory_space<vmem>> -> memref<32x768xf32, #tpu.memory_space<vmem>>
    %dma_start3A_250 = arith.constant 0 : i32
    %dma_start3A_251 = tpu.memref_slice %arg4[%add3A_244, %dma_start3A_250] : memref<16384x768xf32, #tpu.memory_space<hbm>> -> memref<32x768xf32, #tpu.memory_space<hbm>>
    %dma_start3A_252 = arith.constant 0 : i32
    %dma_start3A_253 = tpu.memref_slice %arg4[%add3A_244, %dma_start3A_252] : memref<16384x768xf32, #tpu.memory_space<hbm>> -> memref<32x768xf32, #tpu.memory_space<hbm>>
    %dma_start3A_254 = arith.constant 0 : i32
    %dma_start3A_255 = arith.constant 0 : i32
    %dma_start3A_256 = tpu.memref_slice %arg6[%dma_start3A_245, %dma_start3A_254, %dma_start3A_255] : memref<4x32x768xf32, #tpu.memory_space<vmem>> -> memref<1x32x768xf32, #tpu.memory_space<vmem>>
    %dma_start3A_257 = tpu.memref_squeeze %dma_start3A_256 : memref<1x32x768xf32, #tpu.memory_space<vmem>> -> memref<32x768xf32, #tpu.memory_space<vmem>>
    tpu.enqueue_dma source(%dma_start3A_257 : memref<32x768xf32, #tpu.memory_space<vmem>>) target(%dma_start3A_253 : memref<32x768xf32, #tpu.memory_space<hbm>>) target_semaphore(%arg11 : memref<!tpu.dma_semaphore, #tpu.memory_space<semaphore_mem>>)
    %dma_wait3A_258 = arith.constant 0 : i32
    %dma_wait3A_259 = arith.constant 0 : i32
    %dma_wait3A_260 = arith.constant 0 : i32
    %dma_wait3A_261 = tpu.memref_slice %arg6[%dma_wait3A_258, %dma_wait3A_259, %dma_wait3A_260] : memref<4x32x768xf32, #tpu.memory_space<vmem>> -> memref<1x32x768xf32, #tpu.memory_space<vmem>>
    %dma_wait3A_262 = tpu.memref_squeeze %dma_wait3A_261 : memref<1x32x768xf32, #tpu.memory_space<vmem>> -> memref<32x768xf32, #tpu.memory_space<vmem>>
    %dma_wait3A_263 = arith.constant 0 : i32
    %dma_wait3A_264 = tpu.memref_slice %arg4[%add3A_244, %dma_wait3A_263] : memref<16384x768xf32, #tpu.memory_space<hbm>> -> memref<32x768xf32, #tpu.memory_space<hbm>>
    %dma_wait3A_265 = arith.constant 0 : i32
    %dma_wait3A_266 = tpu.memref_slice %arg4[%add3A_244, %dma_wait3A_265] : memref<16384x768xf32, #tpu.memory_space<hbm>> -> memref<32x768xf32, #tpu.memory_space<hbm>>
    %dma_wait3A_267 = arith.constant 0 : i32
    %dma_wait3A_268 = arith.constant 0 : i32
    %dma_wait3A_269 = tpu.memref_slice %arg6[%dma_wait3A_258, %dma_wait3A_267, %dma_wait3A_268] : memref<4x32x768xf32, #tpu.memory_space<vmem>> -> memref<1x32x768xf32, #tpu.memory_space<vmem>>
    %dma_wait3A_270 = tpu.memref_squeeze %dma_wait3A_269 : memref<1x32x768xf32, #tpu.memory_space<vmem>> -> memref<32x768xf32, #tpu.memory_space<vmem>>
    tpu.wait_dma2 semaphore(%arg11 : memref<!tpu.dma_semaphore, #tpu.memory_space<semaphore_mem>>) src(%dma_wait3A_270 : memref<32x768xf32, #tpu.memory_space<vmem>>) dst(%dma_wait3A_266 : memref<32x768xf32, #tpu.memory_space<hbm>>)
    %dma_start3A_271 = arith.constant 0 : i32
    %dma_start3A_272 = arith.constant 0 : i32
    %dma_start3A_273 = arith.constant 0 : i32
    %dma_start3A_274 = tpu.memref_slice %arg6[%dma_start3A_271, %dma_start3A_272, %dma_start3A_273] : memref<4x32x768xf32, #tpu.memory_space<vmem>> -> memref<1x32x768xf32, #tpu.memory_space<vmem>>
    %dma_start3A_275 = tpu.memref_squeeze %dma_start3A_274 : memref<1x32x768xf32, #tpu.memory_space<vmem>> -> memref<32x768xf32, #tpu.memory_space<vmem>>
    %dma_start3A_276 = arith.constant 256 : i32
    %dma_start3A_277 = tpu.memref_slice %arg5[%dma_start3A_276] : memref<512xi32, #tpu.memory_space<vmem>> -> memref<32xi32, #tpu.memory_space<vmem>>
    %dma_start3A_278 = arith.constant 0 : i32
    %dma_start3A_279 = arith.constant 0 : i32
    %dma_start3A_280 = tpu.memref_slice %arg2[%dma_start3A_278, %dma_start3A_279] : memref<1025x768xf32, #tpu.memory_space<hbm>> -> memref<1025x768xf32, #tpu.memory_space<hbm>>
    tpu.enqueue_indirect_dma source(%dma_start3A_280 : memref<1025x768xf32, #tpu.memory_space<hbm>>) target(%dma_start3A_275 : memref<32x768xf32, #tpu.memory_space<vmem>>) offsets(%dma_start3A_277 : memref<32xi32, #tpu.memory_space<vmem>>) semaphore(%arg7 : memref<!tpu.dma_semaphore, #tpu.memory_space<semaphore_mem>>)
    %dma_wait3A_281 = arith.constant 1 : i32
    %dma_wait3A_282 = arith.constant 0 : i32
    %dma_wait3A_283 = arith.constant 0 : i32
    %dma_wait3A_284 = tpu.memref_slice %arg6[%dma_wait3A_281, %dma_wait3A_282, %dma_wait3A_283] : memref<4x32x768xf32, #tpu.memory_space<vmem>> -> memref<1x32x768xf32, #tpu.memory_space<vmem>>
    %dma_wait3A_285 = tpu.memref_squeeze %dma_wait3A_284 : memref<1x32x768xf32, #tpu.memory_space<vmem>> -> memref<32x768xf32, #tpu.memory_space<vmem>>
    %dma_wait3A_286 = arith.constant 160 : i32
    %dma_wait3A_287 = tpu.memref_slice %arg5[%dma_wait3A_286] : memref<512xi32, #tpu.memory_space<vmem>> -> memref<32xi32, #tpu.memory_space<vmem>>
    %dma_wait3A_288 = arith.constant 0 : i32
    %dma_wait3A_289 = arith.constant 0 : i32
    %dma_wait3A_290 = tpu.memref_slice %arg2[%dma_wait3A_288, %dma_wait3A_289] : memref<1025x768xf32, #tpu.memory_space<hbm>> -> memref<1025x768xf32, #tpu.memory_space<hbm>>
    tpu.wait_indirect_dma semaphore(%arg8 : memref<!tpu.dma_semaphore, #tpu.memory_space<semaphore_mem>>) src(%dma_wait3A_290 : memref<1025x768xf32, #tpu.memory_space<hbm>>) dst(%dma_wait3A_285 : memref<32x768xf32, #tpu.memory_space<vmem>>)
    %add3A_291 = arith.constant 160 : i32
    %add3A_292 = arith.addi %mul3A_2, %add3A_291 : i32
    %dma_start3A_293 = arith.constant 1 : i32
    %dma_start3A_294 = arith.constant 0 : i32
    %dma_start3A_295 = arith.constant 0 : i32
    %dma_start3A_296 = tpu.memref_slice %arg6[%dma_start3A_293, %dma_start3A_294, %dma_start3A_295] : memref<4x32x768xf32, #tpu.memory_space<vmem>> -> memref<1x32x768xf32, #tpu.memory_space<vmem>>
    %dma_start3A_297 = tpu.memref_squeeze %dma_start3A_296 : memref<1x32x768xf32, #tpu.memory_space<vmem>> -> memref<32x768xf32, #tpu.memory_space<vmem>>
    %dma_start3A_298 = arith.constant 0 : i32
    %dma_start3A_299 = tpu.memref_slice %arg4[%add3A_292, %dma_start3A_298] : memref<16384x768xf32, #tpu.memory_space<hbm>> -> memref<32x768xf32, #tpu.memory_space<hbm>>
    %dma_start3A_300 = arith.constant 0 : i32
    %dma_start3A_301 = tpu.memref_slice %arg4[%add3A_292, %dma_start3A_300] : memref<16384x768xf32, #tpu.memory_space<hbm>> -> memref<32x768xf32, #tpu.memory_space<hbm>>
    %dma_start3A_302 = arith.constant 0 : i32
    %dma_start3A_303 = arith.constant 0 : i32
    %dma_start3A_304 = tpu.memref_slice %arg6[%dma_start3A_293, %dma_start3A_302, %dma_start3A_303] : memref<4x32x768xf32, #tpu.memory_space<vmem>> -> memref<1x32x768xf32, #tpu.memory_space<vmem>>
    %dma_start3A_305 = tpu.memref_squeeze %dma_start3A_304 : memref<1x32x768xf32, #tpu.memory_space<vmem>> -> memref<32x768xf32, #tpu.memory_space<vmem>>
    tpu.enqueue_dma source(%dma_start3A_305 : memref<32x768xf32, #tpu.memory_space<vmem>>) target(%dma_start3A_301 : memref<32x768xf32, #tpu.memory_space<hbm>>) target_semaphore(%arg12 : memref<!tpu.dma_semaphore, #tpu.memory_space<semaphore_mem>>)
    %dma_wait3A_306 = arith.constant 1 : i32
    %dma_wait3A_307 = arith.constant 0 : i32
    %dma_wait3A_308 = arith.constant 0 : i32
    %dma_wait3A_309 = tpu.memref_slice %arg6[%dma_wait3A_306, %dma_wait3A_307, %dma_wait3A_308] : memref<4x32x768xf32, #tpu.memory_space<vmem>> -> memref<1x32x768xf32, #tpu.memory_space<vmem>>
    %dma_wait3A_310 = tpu.memref_squeeze %dma_wait3A_309 : memref<1x32x768xf32, #tpu.memory_space<vmem>> -> memref<32x768xf32, #tpu.memory_space<vmem>>
    %dma_wait3A_311 = arith.constant 0 : i32
    %dma_wait3A_312 = tpu.memref_slice %arg4[%add3A_292, %dma_wait3A_311] : memref<16384x768xf32, #tpu.memory_space<hbm>> -> memref<32x768xf32, #tpu.memory_space<hbm>>
    %dma_wait3A_313 = arith.constant 0 : i32
    %dma_wait3A_314 = tpu.memref_slice %arg4[%add3A_292, %dma_wait3A_313] : memref<16384x768xf32, #tpu.memory_space<hbm>> -> memref<32x768xf32, #tpu.memory_space<hbm>>
    %dma_wait3A_315 = arith.constant 0 : i32
    %dma_wait3A_316 = arith.constant 0 : i32
    %dma_wait3A_317 = tpu.memref_slice %arg6[%dma_wait3A_306, %dma_wait3A_315, %dma_wait3A_316] : memref<4x32x768xf32, #tpu.memory_space<vmem>> -> memref<1x32x768xf32, #tpu.memory_space<vmem>>
    %dma_wait3A_318 = tpu.memref_squeeze %dma_wait3A_317 : memref<1x32x768xf32, #tpu.memory_space<vmem>> -> memref<32x768xf32, #tpu.memory_space<vmem>>
    tpu.wait_dma2 semaphore(%arg12 : memref<!tpu.dma_semaphore, #tpu.memory_space<semaphore_mem>>) src(%dma_wait3A_318 : memref<32x768xf32, #tpu.memory_space<vmem>>) dst(%dma_wait3A_314 : memref<32x768xf32, #tpu.memory_space<hbm>>)
    %dma_start3A_319 = arith.constant 1 : i32
    %dma_start3A_320 = arith.constant 0 : i32
    %dma_start3A_321 = arith.constant 0 : i32
    %dma_start3A_322 = tpu.memref_slice %arg6[%dma_start3A_319, %dma_start3A_320, %dma_start3A_321] : memref<4x32x768xf32, #tpu.memory_space<vmem>> -> memref<1x32x768xf32, #tpu.memory_space<vmem>>
    %dma_start3A_323 = tpu.memref_squeeze %dma_start3A_322 : memref<1x32x768xf32, #tpu.memory_space<vmem>> -> memref<32x768xf32, #tpu.memory_space<vmem>>
    %dma_start3A_324 = arith.constant 288 : i32
    %dma_start3A_325 = tpu.memref_slice %arg5[%dma_start3A_324] : memref<512xi32, #tpu.memory_space<vmem>> -> memref<32xi32, #tpu.memory_space<vmem>>
    %dma_start3A_326 = arith.constant 0 : i32
    %dma_start3A_327 = arith.constant 0 : i32
    %dma_start3A_328 = tpu.memref_slice %arg2[%dma_start3A_326, %dma_start3A_327] : memref<1025x768xf32, #tpu.memory_space<hbm>> -> memref<1025x768xf32, #tpu.memory_space<hbm>>
    tpu.enqueue_indirect_dma source(%dma_start3A_328 : memref<1025x768xf32, #tpu.memory_space<hbm>>) target(%dma_start3A_323 : memref<32x768xf32, #tpu.memory_space<vmem>>) offsets(%dma_start3A_325 : memref<32xi32, #tpu.memory_space<vmem>>) semaphore(%arg8 : memref<!tpu.dma_semaphore, #tpu.memory_space<semaphore_mem>>)
    %dma_wait3A_329 = arith.constant 2 : i32
    %dma_wait3A_330 = arith.constant 0 : i32
    %dma_wait3A_331 = arith.constant 0 : i32
    %dma_wait3A_332 = tpu.memref_slice %arg6[%dma_wait3A_329, %dma_wait3A_330, %dma_wait3A_331] : memref<4x32x768xf32, #tpu.memory_space<vmem>> -> memref<1x32x768xf32, #tpu.memory_space<vmem>>
    %dma_wait3A_333 = tpu.memref_squeeze %dma_wait3A_332 : memref<1x32x768xf32, #tpu.memory_space<vmem>> -> memref<32x768xf32, #tpu.memory_space<vmem>>
    %dma_wait3A_334 = arith.constant 192 : i32
    %dma_wait3A_335 = tpu.memref_slice %arg5[%dma_wait3A_334] : memref<512xi32, #tpu.memory_space<vmem>> -> memref<32xi32, #tpu.memory_space<vmem>>
    %dma_wait3A_336 = arith.constant 0 : i32
    %dma_wait3A_337 = arith.constant 0 : i32
    %dma_wait3A_338 = tpu.memref_slice %arg2[%dma_wait3A_336, %dma_wait3A_337] : memref<1025x768xf32, #tpu.memory_space<hbm>> -> memref<1025x768xf32, #tpu.memory_space<hbm>>
    tpu.wait_indirect_dma semaphore(%arg9 : memref<!tpu.dma_semaphore, #tpu.memory_space<semaphore_mem>>) src(%dma_wait3A_338 : memref<1025x768xf32, #tpu.memory_space<hbm>>) dst(%dma_wait3A_333 : memref<32x768xf32, #tpu.memory_space<vmem>>)
    %add3A_339 = arith.constant 192 : i32
    %add3A_340 = arith.addi %mul3A_2, %add3A_339 : i32
    %dma_start3A_341 = arith.constant 2 : i32
    %dma_start3A_342 = arith.constant 0 : i32
    %dma_start3A_343 = arith.constant 0 : i32
    %dma_start3A_344 = tpu.memref_slice %arg6[%dma_start3A_341, %dma_start3A_342, %dma_start3A_343] : memref<4x32x768xf32, #tpu.memory_space<vmem>> -> memref<1x32x768xf32, #tpu.memory_space<vmem>>
    %dma_start3A_345 = tpu.memref_squeeze %dma_start3A_344 : memref<1x32x768xf32, #tpu.memory_space<vmem>> -> memref<32x768xf32, #tpu.memory_space<vmem>>
    %dma_start3A_346 = arith.constant 0 : i32
    %dma_start3A_347 = tpu.memref_slice %arg4[%add3A_340, %dma_start3A_346] : memref<16384x768xf32, #tpu.memory_space<hbm>> -> memref<32x768xf32, #tpu.memory_space<hbm>>
    %dma_start3A_348 = arith.constant 0 : i32
    %dma_start3A_349 = tpu.memref_slice %arg4[%add3A_340, %dma_start3A_348] : memref<16384x768xf32, #tpu.memory_space<hbm>> -> memref<32x768xf32, #tpu.memory_space<hbm>>
    %dma_start3A_350 = arith.constant 0 : i32
    %dma_start3A_351 = arith.constant 0 : i32
    %dma_start3A_352 = tpu.memref_slice %arg6[%dma_start3A_341, %dma_start3A_350, %dma_start3A_351] : memref<4x32x768xf32, #tpu.memory_space<vmem>> -> memref<1x32x768xf32, #tpu.memory_space<vmem>>
    %dma_start3A_353 = tpu.memref_squeeze %dma_start3A_352 : memref<1x32x768xf32, #tpu.memory_space<vmem>> -> memref<32x768xf32, #tpu.memory_space<vmem>>
    tpu.enqueue_dma source(%dma_start3A_353 : memref<32x768xf32, #tpu.memory_space<vmem>>) target(%dma_start3A_349 : memref<32x768xf32, #tpu.memory_space<hbm>>) target_semaphore(%arg13 : memref<!tpu.dma_semaphore, #tpu.memory_space<semaphore_mem>>)
    %dma_wait3A_354 = arith.constant 2 : i32
    %dma_wait3A_355 = arith.constant 0 : i32
    %dma_wait3A_356 = arith.constant 0 : i32
    %dma_wait3A_357 = tpu.memref_slice %arg6[%dma_wait3A_354, %dma_wait3A_355, %dma_wait3A_356] : memref<4x32x768xf32, #tpu.memory_space<vmem>> -> memref<1x32x768xf32, #tpu.memory_space<vmem>>
    %dma_wait3A_358 = tpu.memref_squeeze %dma_wait3A_357 : memref<1x32x768xf32, #tpu.memory_space<vmem>> -> memref<32x768xf32, #tpu.memory_space<vmem>>
    %dma_wait3A_359 = arith.constant 0 : i32
    %dma_wait3A_360 = tpu.memref_slice %arg4[%add3A_340, %dma_wait3A_359] : memref<16384x768xf32, #tpu.memory_space<hbm>> -> memref<32x768xf32, #tpu.memory_space<hbm>>
    %dma_wait3A_361 = arith.constant 0 : i32
    %dma_wait3A_362 = tpu.memref_slice %arg4[%add3A_340, %dma_wait3A_361] : memref<16384x768xf32, #tpu.memory_space<hbm>> -> memref<32x768xf32, #tpu.memory_space<hbm>>
    %dma_wait3A_363 = arith.constant 0 : i32
    %dma_wait3A_364 = arith.constant 0 : i32
    %dma_wait3A_365 = tpu.memref_slice %arg6[%dma_wait3A_354, %dma_wait3A_363, %dma_wait3A_364] : memref<4x32x768xf32, #tpu.memory_space<vmem>> -> memref<1x32x768xf32, #tpu.memory_space<vmem>>
    %dma_wait3A_366 = tpu.memref_squeeze %dma_wait3A_365 : memref<1x32x768xf32, #tpu.memory_space<vmem>> -> memref<32x768xf32, #tpu.memory_space<vmem>>
    tpu.wait_dma2 semaphore(%arg13 : memref<!tpu.dma_semaphore, #tpu.memory_space<semaphore_mem>>) src(%dma_wait3A_366 : memref<32x768xf32, #tpu.memory_space<vmem>>) dst(%dma_wait3A_362 : memref<32x768xf32, #tpu.memory_space<hbm>>)
    %dma_start3A_367 = arith.constant 2 : i32
    %dma_start3A_368 = arith.constant 0 : i32
    %dma_start3A_369 = arith.constant 0 : i32
    %dma_start3A_370 = tpu.memref_slice %arg6[%dma_start3A_367, %dma_start3A_368, %dma_start3A_369] : memref<4x32x768xf32, #tpu.memory_space<vmem>> -> memref<1x32x768xf32, #tpu.memory_space<vmem>>
    %dma_start3A_371 = tpu.memref_squeeze %dma_start3A_370 : memref<1x32x768xf32, #tpu.memory_space<vmem>> -> memref<32x768xf32, #tpu.memory_space<vmem>>
    %dma_start3A_372 = arith.constant 320 : i32
    %dma_start3A_373 = tpu.memref_slice %arg5[%dma_start3A_372] : memref<512xi32, #tpu.memory_space<vmem>> -> memref<32xi32, #tpu.memory_space<vmem>>
    %dma_start3A_374 = arith.constant 0 : i32
    %dma_start3A_375 = arith.constant 0 : i32
    %dma_start3A_376 = tpu.memref_slice %arg2[%dma_start3A_374, %dma_start3A_375] : memref<1025x768xf32, #tpu.memory_space<hbm>> -> memref<1025x768xf32, #tpu.memory_space<hbm>>
    tpu.enqueue_indirect_dma source(%dma_start3A_376 : memref<1025x768xf32, #tpu.memory_space<hbm>>) target(%dma_start3A_371 : memref<32x768xf32, #tpu.memory_space<vmem>>) offsets(%dma_start3A_373 : memref<32xi32, #tpu.memory_space<vmem>>) semaphore(%arg9 : memref<!tpu.dma_semaphore, #tpu.memory_space<semaphore_mem>>)
    %dma_wait3A_377 = arith.constant 3 : i32
    %dma_wait3A_378 = arith.constant 0 : i32
    %dma_wait3A_379 = arith.constant 0 : i32
    %dma_wait3A_380 = tpu.memref_slice %arg6[%dma_wait3A_377, %dma_wait3A_378, %dma_wait3A_379] : memref<4x32x768xf32, #tpu.memory_space<vmem>> -> memref<1x32x768xf32, #tpu.memory_space<vmem>>
    %dma_wait3A_381 = tpu.memref_squeeze %dma_wait3A_380 : memref<1x32x768xf32, #tpu.memory_space<vmem>> -> memref<32x768xf32, #tpu.memory_space<vmem>>
    %dma_wait3A_382 = arith.constant 224 : i32
    %dma_wait3A_383 = tpu.memref_slice %arg5[%dma_wait3A_382] : memref<512xi32, #tpu.memory_space<vmem>> -> memref<32xi32, #tpu.memory_space<vmem>>
    %dma_wait3A_384 = arith.constant 0 : i32
    %dma_wait3A_385 = arith.constant 0 : i32
    %dma_wait3A_386 = tpu.memref_slice %arg2[%dma_wait3A_384, %dma_wait3A_385] : memref<1025x768xf32, #tpu.memory_space<hbm>> -> memref<1025x768xf32, #tpu.memory_space<hbm>>
    tpu.wait_indirect_dma semaphore(%arg10 : memref<!tpu.dma_semaphore, #tpu.memory_space<semaphore_mem>>) src(%dma_wait3A_386 : memref<1025x768xf32, #tpu.memory_space<hbm>>) dst(%dma_wait3A_381 : memref<32x768xf32, #tpu.memory_space<vmem>>)
    %add3A_387 = arith.constant 224 : i32
    %add3A_388 = arith.addi %mul3A_2, %add3A_387 : i32
    %dma_start3A_389 = arith.constant 3 : i32
    %dma_start3A_390 = arith.constant 0 : i32
    %dma_start3A_391 = arith.constant 0 : i32
    %dma_start3A_392 = tpu.memref_slice %arg6[%dma_start3A_389, %dma_start3A_390, %dma_start3A_391] : memref<4x32x768xf32, #tpu.memory_space<vmem>> -> memref<1x32x768xf32, #tpu.memory_space<vmem>>
    %dma_start3A_393 = tpu.memref_squeeze %dma_start3A_392 : memref<1x32x768xf32, #tpu.memory_space<vmem>> -> memref<32x768xf32, #tpu.memory_space<vmem>>
    %dma_start3A_394 = arith.constant 0 : i32
    %dma_start3A_395 = tpu.memref_slice %arg4[%add3A_388, %dma_start3A_394] : memref<16384x768xf32, #tpu.memory_space<hbm>> -> memref<32x768xf32, #tpu.memory_space<hbm>>
    %dma_start3A_396 = arith.constant 0 : i32
    %dma_start3A_397 = tpu.memref_slice %arg4[%add3A_388, %dma_start3A_396] : memref<16384x768xf32, #tpu.memory_space<hbm>> -> memref<32x768xf32, #tpu.memory_space<hbm>>
    %dma_start3A_398 = arith.constant 0 : i32
    %dma_start3A_399 = arith.constant 0 : i32
    %dma_start3A_400 = tpu.memref_slice %arg6[%dma_start3A_389, %dma_start3A_398, %dma_start3A_399] : memref<4x32x768xf32, #tpu.memory_space<vmem>> -> memref<1x32x768xf32, #tpu.memory_space<vmem>>
    %dma_start3A_401 = tpu.memref_squeeze %dma_start3A_400 : memref<1x32x768xf32, #tpu.memory_space<vmem>> -> memref<32x768xf32, #tpu.memory_space<vmem>>
    tpu.enqueue_dma source(%dma_start3A_401 : memref<32x768xf32, #tpu.memory_space<vmem>>) target(%dma_start3A_397 : memref<32x768xf32, #tpu.memory_space<hbm>>) target_semaphore(%arg14 : memref<!tpu.dma_semaphore, #tpu.memory_space<semaphore_mem>>)
    %dma_wait3A_402 = arith.constant 3 : i32
    %dma_wait3A_403 = arith.constant 0 : i32
    %dma_wait3A_404 = arith.constant 0 : i32
    %dma_wait3A_405 = tpu.memref_slice %arg6[%dma_wait3A_402, %dma_wait3A_403, %dma_wait3A_404] : memref<4x32x768xf32, #tpu.memory_space<vmem>> -> memref<1x32x768xf32, #tpu.memory_space<vmem>>
    %dma_wait3A_406 = tpu.memref_squeeze %dma_wait3A_405 : memref<1x32x768xf32, #tpu.memory_space<vmem>> -> memref<32x768xf32, #tpu.memory_space<vmem>>
    %dma_wait3A_407 = arith.constant 0 : i32
    %dma_wait3A_408 = tpu.memref_slice %arg4[%add3A_388, %dma_wait3A_407] : memref<16384x768xf32, #tpu.memory_space<hbm>> -> memref<32x768xf32, #tpu.memory_space<hbm>>
    %dma_wait3A_409 = arith.constant 0 : i32
    %dma_wait3A_410 = tpu.memref_slice %arg4[%add3A_388, %dma_wait3A_409] : memref<16384x768xf32, #tpu.memory_space<hbm>> -> memref<32x768xf32, #tpu.memory_space<hbm>>
    %dma_wait3A_411 = arith.constant 0 : i32
    %dma_wait3A_412 = arith.constant 0 : i32
    %dma_wait3A_413 = tpu.memref_slice %arg6[%dma_wait3A_402, %dma_wait3A_411, %dma_wait3A_412] : memref<4x32x768xf32, #tpu.memory_space<vmem>> -> memref<1x32x768xf32, #tpu.memory_space<vmem>>
    %dma_wait3A_414 = tpu.memref_squeeze %dma_wait3A_413 : memref<1x32x768xf32, #tpu.memory_space<vmem>> -> memref<32x768xf32, #tpu.memory_space<vmem>>
    tpu.wait_dma2 semaphore(%arg14 : memref<!tpu.dma_semaphore, #tpu.memory_space<semaphore_mem>>) src(%dma_wait3A_414 : memref<32x768xf32, #tpu.memory_space<vmem>>) dst(%dma_wait3A_410 : memref<32x768xf32, #tpu.memory_space<hbm>>)
    %dma_start3A_415 = arith.constant 3 : i32
    %dma_start3A_416 = arith.constant 0 : i32
    %dma_start3A_417 = arith.constant 0 : i32
    %dma_start3A_418 = tpu.memref_slice %arg6[%dma_start3A_415, %dma_start3A_416, %dma_start3A_417] : memref<4x32x768xf32, #tpu.memory_space<vmem>> -> memref<1x32x768xf32, #tpu.memory_space<vmem>>
    %dma_start3A_419 = tpu.memref_squeeze %dma_start3A_418 : memref<1x32x768xf32, #tpu.memory_space<vmem>> -> memref<32x768xf32, #tpu.memory_space<vmem>>
    %dma_start3A_420 = arith.constant 352 : i32
    %dma_start3A_421 = tpu.memref_slice %arg5[%dma_start3A_420] : memref<512xi32, #tpu.memory_space<vmem>> -> memref<32xi32, #tpu.memory_space<vmem>>
    %dma_start3A_422 = arith.constant 0 : i32
    %dma_start3A_423 = arith.constant 0 : i32
    %dma_start3A_424 = tpu.memref_slice %arg2[%dma_start3A_422, %dma_start3A_423] : memref<1025x768xf32, #tpu.memory_space<hbm>> -> memref<1025x768xf32, #tpu.memory_space<hbm>>
    tpu.enqueue_indirect_dma source(%dma_start3A_424 : memref<1025x768xf32, #tpu.memory_space<hbm>>) target(%dma_start3A_419 : memref<32x768xf32, #tpu.memory_space<vmem>>) offsets(%dma_start3A_421 : memref<32xi32, #tpu.memory_space<vmem>>) semaphore(%arg10 : memref<!tpu.dma_semaphore, #tpu.memory_space<semaphore_mem>>)
    %dma_wait3A_425 = arith.constant 0 : i32
    %dma_wait3A_426 = arith.constant 0 : i32
    %dma_wait3A_427 = arith.constant 0 : i32
    %dma_wait3A_428 = tpu.memref_slice %arg6[%dma_wait3A_425, %dma_wait3A_426, %dma_wait3A_427] : memref<4x32x768xf32, #tpu.memory_space<vmem>> -> memref<1x32x768xf32, #tpu.memory_space<vmem>>
    %dma_wait3A_429 = tpu.memref_squeeze %dma_wait3A_428 : memref<1x32x768xf32, #tpu.memory_space<vmem>> -> memref<32x768xf32, #tpu.memory_space<vmem>>
    %dma_wait3A_430 = arith.constant 256 : i32
    %dma_wait3A_431 = tpu.memref_slice %arg5[%dma_wait3A_430] : memref<512xi32, #tpu.memory_space<vmem>> -> memref<32xi32, #tpu.memory_space<vmem>>
    %dma_wait3A_432 = arith.constant 0 : i32
    %dma_wait3A_433 = arith.constant 0 : i32
    %dma_wait3A_434 = tpu.memref_slice %arg2[%dma_wait3A_432, %dma_wait3A_433] : memref<1025x768xf32, #tpu.memory_space<hbm>> -> memref<1025x768xf32, #tpu.memory_space<hbm>>
    tpu.wait_indirect_dma semaphore(%arg7 : memref<!tpu.dma_semaphore, #tpu.memory_space<semaphore_mem>>) src(%dma_wait3A_434 : memref<1025x768xf32, #tpu.memory_space<hbm>>) dst(%dma_wait3A_429 : memref<32x768xf32, #tpu.memory_space<vmem>>)
    %add3A_435 = arith.constant 256 : i32
    %add3A_436 = arith.addi %mul3A_2, %add3A_435 : i32
    %dma_start3A_437 = arith.constant 0 : i32
    %dma_start3A_438 = arith.constant 0 : i32
    %dma_start3A_439 = arith.constant 0 : i32
    %dma_start3A_440 = tpu.memref_slice %arg6[%dma_start3A_437, %dma_start3A_438, %dma_start3A_439] : memref<4x32x768xf32, #tpu.memory_space<vmem>> -> memref<1x32x768xf32, #tpu.memory_space<vmem>>
    %dma_start3A_441 = tpu.memref_squeeze %dma_start3A_440 : memref<1x32x768xf32, #tpu.memory_space<vmem>> -> memref<32x768xf32, #tpu.memory_space<vmem>>
    %dma_start3A_442 = arith.constant 0 : i32
    %dma_start3A_443 = tpu.memref_slice %arg4[%add3A_436, %dma_start3A_442] : memref<16384x768xf32, #tpu.memory_space<hbm>> -> memref<32x768xf32, #tpu.memory_space<hbm>>
    %dma_start3A_444 = arith.constant 0 : i32
    %dma_start3A_445 = tpu.memref_slice %arg4[%add3A_436, %dma_start3A_444] : memref<16384x768xf32, #tpu.memory_space<hbm>> -> memref<32x768xf32, #tpu.memory_space<hbm>>
    %dma_start3A_446 = arith.constant 0 : i32
    %dma_start3A_447 = arith.constant 0 : i32
    %dma_start3A_448 = tpu.memref_slice %arg6[%dma_start3A_437, %dma_start3A_446, %dma_start3A_447] : memref<4x32x768xf32, #tpu.memory_space<vmem>> -> memref<1x32x768xf32, #tpu.memory_space<vmem>>
    %dma_start3A_449 = tpu.memref_squeeze %dma_start3A_448 : memref<1x32x768xf32, #tpu.memory_space<vmem>> -> memref<32x768xf32, #tpu.memory_space<vmem>>
    tpu.enqueue_dma source(%dma_start3A_449 : memref<32x768xf32, #tpu.memory_space<vmem>>) target(%dma_start3A_445 : memref<32x768xf32, #tpu.memory_space<hbm>>) target_semaphore(%arg11 : memref<!tpu.dma_semaphore, #tpu.memory_space<semaphore_mem>>)
    %dma_wait3A_450 = arith.constant 0 : i32
    %dma_wait3A_451 = arith.constant 0 : i32
    %dma_wait3A_452 = arith.constant 0 : i32
    %dma_wait3A_453 = tpu.memref_slice %arg6[%dma_wait3A_450, %dma_wait3A_451, %dma_wait3A_452] : memref<4x32x768xf32, #tpu.memory_space<vmem>> -> memref<1x32x768xf32, #tpu.memory_space<vmem>>
    %dma_wait3A_454 = tpu.memref_squeeze %dma_wait3A_453 : memref<1x32x768xf32, #tpu.memory_space<vmem>> -> memref<32x768xf32, #tpu.memory_space<vmem>>
    %dma_wait3A_455 = arith.constant 0 : i32
    %dma_wait3A_456 = tpu.memref_slice %arg4[%add3A_436, %dma_wait3A_455] : memref<16384x768xf32, #tpu.memory_space<hbm>> -> memref<32x768xf32, #tpu.memory_space<hbm>>
    %dma_wait3A_457 = arith.constant 0 : i32
    %dma_wait3A_458 = tpu.memref_slice %arg4[%add3A_436, %dma_wait3A_457] : memref<16384x768xf32, #tpu.memory_space<hbm>> -> memref<32x768xf32, #tpu.memory_space<hbm>>
    %dma_wait3A_459 = arith.constant 0 : i32
    %dma_wait3A_460 = arith.constant 0 : i32
    %dma_wait3A_461 = tpu.memref_slice %arg6[%dma_wait3A_450, %dma_wait3A_459, %dma_wait3A_460] : memref<4x32x768xf32, #tpu.memory_space<vmem>> -> memref<1x32x768xf32, #tpu.memory_space<vmem>>
    %dma_wait3A_462 = tpu.memref_squeeze %dma_wait3A_461 : memref<1x32x768xf32, #tpu.memory_space<vmem>> -> memref<32x768xf32, #tpu.memory_space<vmem>>
    tpu.wait_dma2 semaphore(%arg11 : memref<!tpu.dma_semaphore, #tpu.memory_space<semaphore_mem>>) src(%dma_wait3A_462 : memref<32x768xf32, #tpu.memory_space<vmem>>) dst(%dma_wait3A_458 : memref<32x768xf32, #tpu.memory_space<hbm>>)
    %dma_start3A_463 = arith.constant 0 : i32
    %dma_start3A_464 = arith.constant 0 : i32
    %dma_start3A_465 = arith.constant 0 : i32
    %dma_start3A_466 = tpu.memref_slice %arg6[%dma_start3A_463, %dma_start3A_464, %dma_start3A_465] : memref<4x32x768xf32, #tpu.memory_space<vmem>> -> memref<1x32x768xf32, #tpu.memory_space<vmem>>
    %dma_start3A_467 = tpu.memref_squeeze %dma_start3A_466 : memref<1x32x768xf32, #tpu.memory_space<vmem>> -> memref<32x768xf32, #tpu.memory_space<vmem>>
    %dma_start3A_468 = arith.constant 384 : i32
    %dma_start3A_469 = tpu.memref_slice %arg5[%dma_start3A_468] : memref<512xi32, #tpu.memory_space<vmem>> -> memref<32xi32, #tpu.memory_space<vmem>>
    %dma_start3A_470 = arith.constant 0 : i32
    %dma_start3A_471 = arith.constant 0 : i32
    %dma_start3A_472 = tpu.memref_slice %arg2[%dma_start3A_470, %dma_start3A_471] : memref<1025x768xf32, #tpu.memory_space<hbm>> -> memref<1025x768xf32, #tpu.memory_space<hbm>>
    tpu.enqueue_indirect_dma source(%dma_start3A_472 : memref<1025x768xf32, #tpu.memory_space<hbm>>) target(%dma_start3A_467 : memref<32x768xf32, #tpu.memory_space<vmem>>) offsets(%dma_start3A_469 : memref<32xi32, #tpu.memory_space<vmem>>) semaphore(%arg7 : memref<!tpu.dma_semaphore, #tpu.memory_space<semaphore_mem>>)
    %dma_wait3A_473 = arith.constant 1 : i32
    %dma_wait3A_474 = arith.constant 0 : i32
    %dma_wait3A_475 = arith.constant 0 : i32
    %dma_wait3A_476 = tpu.memref_slice %arg6[%dma_wait3A_473, %dma_wait3A_474, %dma_wait3A_475] : memref<4x32x768xf32, #tpu.memory_space<vmem>> -> memref<1x32x768xf32, #tpu.memory_space<vmem>>
    %dma_wait3A_477 = tpu.memref_squeeze %dma_wait3A_476 : memref<1x32x768xf32, #tpu.memory_space<vmem>> -> memref<32x768xf32, #tpu.memory_space<vmem>>
    %dma_wait3A_478 = arith.constant 288 : i32
    %dma_wait3A_479 = tpu.memref_slice %arg5[%dma_wait3A_478] : memref<512xi32, #tpu.memory_space<vmem>> -> memref<32xi32, #tpu.memory_space<vmem>>
    %dma_wait3A_480 = arith.constant 0 : i32
    %dma_wait3A_481 = arith.constant 0 : i32
    %dma_wait3A_482 = tpu.memref_slice %arg2[%dma_wait3A_480, %dma_wait3A_481] : memref<1025x768xf32, #tpu.memory_space<hbm>> -> memref<1025x768xf32, #tpu.memory_space<hbm>>
    tpu.wait_indirect_dma semaphore(%arg8 : memref<!tpu.dma_semaphore, #tpu.memory_space<semaphore_mem>>) src(%dma_wait3A_482 : memref<1025x768xf32, #tpu.memory_space<hbm>>) dst(%dma_wait3A_477 : memref<32x768xf32, #tpu.memory_space<vmem>>)
    %add3A_483 = arith.constant 288 : i32
    %add3A_484 = arith.addi %mul3A_2, %add3A_483 : i32
    %dma_start3A_485 = arith.constant 1 : i32
    %dma_start3A_486 = arith.constant 0 : i32
    %dma_start3A_487 = arith.constant 0 : i32
    %dma_start3A_488 = tpu.memref_slice %arg6[%dma_start3A_485, %dma_start3A_486, %dma_start3A_487] : memref<4x32x768xf32, #tpu.memory_space<vmem>> -> memref<1x32x768xf32, #tpu.memory_space<vmem>>
    %dma_start3A_489 = tpu.memref_squeeze %dma_start3A_488 : memref<1x32x768xf32, #tpu.memory_space<vmem>> -> memref<32x768xf32, #tpu.memory_space<vmem>>
    %dma_start3A_490 = arith.constant 0 : i32
    %dma_start3A_491 = tpu.memref_slice %arg4[%add3A_484, %dma_start3A_490] : memref<16384x768xf32, #tpu.memory_space<hbm>> -> memref<32x768xf32, #tpu.memory_space<hbm>>
    %dma_start3A_492 = arith.constant 0 : i32
    %dma_start3A_493 = tpu.memref_slice %arg4[%add3A_484, %dma_start3A_492] : memref<16384x768xf32, #tpu.memory_space<hbm>> -> memref<32x768xf32, #tpu.memory_space<hbm>>
    %dma_start3A_494 = arith.constant 0 : i32
    %dma_start3A_495 = arith.constant 0 : i32
    %dma_start3A_496 = tpu.memref_slice %arg6[%dma_start3A_485, %dma_start3A_494, %dma_start3A_495] : memref<4x32x768xf32, #tpu.memory_space<vmem>> -> memref<1x32x768xf32, #tpu.memory_space<vmem>>
    %dma_start3A_497 = tpu.memref_squeeze %dma_start3A_496 : memref<1x32x768xf32, #tpu.memory_space<vmem>> -> memref<32x768xf32, #tpu.memory_space<vmem>>
    tpu.enqueue_dma source(%dma_start3A_497 : memref<32x768xf32, #tpu.memory_space<vmem>>) target(%dma_start3A_493 : memref<32x768xf32, #tpu.memory_space<hbm>>) target_semaphore(%arg12 : memref<!tpu.dma_semaphore, #tpu.memory_space<semaphore_mem>>)
    %dma_wait3A_498 = arith.constant 1 : i32
    %dma_wait3A_499 = arith.constant 0 : i32
    %dma_wait3A_500 = arith.constant 0 : i32
    %dma_wait3A_501 = tpu.memref_slice %arg6[%dma_wait3A_498, %dma_wait3A_499, %dma_wait3A_500] : memref<4x32x768xf32, #tpu.memory_space<vmem>> -> memref<1x32x768xf32, #tpu.memory_space<vmem>>
    %dma_wait3A_502 = tpu.memref_squeeze %dma_wait3A_501 : memref<1x32x768xf32, #tpu.memory_space<vmem>> -> memref<32x768xf32, #tpu.memory_space<vmem>>
    %dma_wait3A_503 = arith.constant 0 : i32
    %dma_wait3A_504 = tpu.memref_slice %arg4[%add3A_484, %dma_wait3A_503] : memref<16384x768xf32, #tpu.memory_space<hbm>> -> memref<32x768xf32, #tpu.memory_space<hbm>>
    %dma_wait3A_505 = arith.constant 0 : i32
    %dma_wait3A_506 = tpu.memref_slice %arg4[%add3A_484, %dma_wait3A_505] : memref<16384x768xf32, #tpu.memory_space<hbm>> -> memref<32x768xf32, #tpu.memory_space<hbm>>
    %dma_wait3A_507 = arith.constant 0 : i32
    %dma_wait3A_508 = arith.constant 0 : i32
    %dma_wait3A_509 = tpu.memref_slice %arg6[%dma_wait3A_498, %dma_wait3A_507, %dma_wait3A_508] : memref<4x32x768xf32, #tpu.memory_space<vmem>> -> memref<1x32x768xf32, #tpu.memory_space<vmem>>
    %dma_wait3A_510 = tpu.memref_squeeze %dma_wait3A_509 : memref<1x32x768xf32, #tpu.memory_space<vmem>> -> memref<32x768xf32, #tpu.memory_space<vmem>>
    tpu.wait_dma2 semaphore(%arg12 : memref<!tpu.dma_semaphore, #tpu.memory_space<semaphore_mem>>) src(%dma_wait3A_510 : memref<32x768xf32, #tpu.memory_space<vmem>>) dst(%dma_wait3A_506 : memref<32x768xf32, #tpu.memory_space<hbm>>)
    %dma_start3A_511 = arith.constant 1 : i32
    %dma_start3A_512 = arith.constant 0 : i32
    %dma_start3A_513 = arith.constant 0 : i32
    %dma_start3A_514 = tpu.memref_slice %arg6[%dma_start3A_511, %dma_start3A_512, %dma_start3A_513] : memref<4x32x768xf32, #tpu.memory_space<vmem>> -> memref<1x32x768xf32, #tpu.memory_space<vmem>>
    %dma_start3A_515 = tpu.memref_squeeze %dma_start3A_514 : memref<1x32x768xf32, #tpu.memory_space<vmem>> -> memref<32x768xf32, #tpu.memory_space<vmem>>
    %dma_start3A_516 = arith.constant 416 : i32
    %dma_start3A_517 = tpu.memref_slice %arg5[%dma_start3A_516] : memref<512xi32, #tpu.memory_space<vmem>> -> memref<32xi32, #tpu.memory_space<vmem>>
    %dma_start3A_518 = arith.constant 0 : i32
    %dma_start3A_519 = arith.constant 0 : i32
    %dma_start3A_520 = tpu.memref_slice %arg2[%dma_start3A_518, %dma_start3A_519] : memref<1025x768xf32, #tpu.memory_space<hbm>> -> memref<1025x768xf32, #tpu.memory_space<hbm>>
    tpu.enqueue_indirect_dma source(%dma_start3A_520 : memref<1025x768xf32, #tpu.memory_space<hbm>>) target(%dma_start3A_515 : memref<32x768xf32, #tpu.memory_space<vmem>>) offsets(%dma_start3A_517 : memref<32xi32, #tpu.memory_space<vmem>>) semaphore(%arg8 : memref<!tpu.dma_semaphore, #tpu.memory_space<semaphore_mem>>)
    %dma_wait3A_521 = arith.constant 2 : i32
    %dma_wait3A_522 = arith.constant 0 : i32
    %dma_wait3A_523 = arith.constant 0 : i32
    %dma_wait3A_524 = tpu.memref_slice %arg6[%dma_wait3A_521, %dma_wait3A_522, %dma_wait3A_523] : memref<4x32x768xf32, #tpu.memory_space<vmem>> -> memref<1x32x768xf32, #tpu.memory_space<vmem>>
    %dma_wait3A_525 = tpu.memref_squeeze %dma_wait3A_524 : memref<1x32x768xf32, #tpu.memory_space<vmem>> -> memref<32x768xf32, #tpu.memory_space<vmem>>
    %dma_wait3A_526 = arith.constant 320 : i32
    %dma_wait3A_527 = tpu.memref_slice %arg5[%dma_wait3A_526] : memref<512xi32, #tpu.memory_space<vmem>> -> memref<32xi32, #tpu.memory_space<vmem>>
    %dma_wait3A_528 = arith.constant 0 : i32
    %dma_wait3A_529 = arith.constant 0 : i32
    %dma_wait3A_530 = tpu.memref_slice %arg2[%dma_wait3A_528, %dma_wait3A_529] : memref<1025x768xf32, #tpu.memory_space<hbm>> -> memref<1025x768xf32, #tpu.memory_space<hbm>>
    tpu.wait_indirect_dma semaphore(%arg9 : memref<!tpu.dma_semaphore, #tpu.memory_space<semaphore_mem>>) src(%dma_wait3A_530 : memref<1025x768xf32, #tpu.memory_space<hbm>>) dst(%dma_wait3A_525 : memref<32x768xf32, #tpu.memory_space<vmem>>)
    %add3A_531 = arith.constant 320 : i32
    %add3A_532 = arith.addi %mul3A_2, %add3A_531 : i32
    %dma_start3A_533 = arith.constant 2 : i32
    %dma_start3A_534 = arith.constant 0 : i32
    %dma_start3A_535 = arith.constant 0 : i32
    %dma_start3A_536 = tpu.memref_slice %arg6[%dma_start3A_533, %dma_start3A_534, %dma_start3A_535] : memref<4x32x768xf32, #tpu.memory_space<vmem>> -> memref<1x32x768xf32, #tpu.memory_space<vmem>>
    %dma_start3A_537 = tpu.memref_squeeze %dma_start3A_536 : memref<1x32x768xf32, #tpu.memory_space<vmem>> -> memref<32x768xf32, #tpu.memory_space<vmem>>
    %dma_start3A_538 = arith.constant 0 : i32
    %dma_start3A_539 = tpu.memref_slice %arg4[%add3A_532, %dma_start3A_538] : memref<16384x768xf32, #tpu.memory_space<hbm>> -> memref<32x768xf32, #tpu.memory_space<hbm>>
    %dma_start3A_540 = arith.constant 0 : i32
    %dma_start3A_541 = tpu.memref_slice %arg4[%add3A_532, %dma_start3A_540] : memref<16384x768xf32, #tpu.memory_space<hbm>> -> memref<32x768xf32, #tpu.memory_space<hbm>>
    %dma_start3A_542 = arith.constant 0 : i32
    %dma_start3A_543 = arith.constant 0 : i32
    %dma_start3A_544 = tpu.memref_slice %arg6[%dma_start3A_533, %dma_start3A_542, %dma_start3A_543] : memref<4x32x768xf32, #tpu.memory_space<vmem>> -> memref<1x32x768xf32, #tpu.memory_space<vmem>>
    %dma_start3A_545 = tpu.memref_squeeze %dma_start3A_544 : memref<1x32x768xf32, #tpu.memory_space<vmem>> -> memref<32x768xf32, #tpu.memory_space<vmem>>
    tpu.enqueue_dma source(%dma_start3A_545 : memref<32x768xf32, #tpu.memory_space<vmem>>) target(%dma_start3A_541 : memref<32x768xf32, #tpu.memory_space<hbm>>) target_semaphore(%arg13 : memref<!tpu.dma_semaphore, #tpu.memory_space<semaphore_mem>>)
    %dma_wait3A_546 = arith.constant 2 : i32
    %dma_wait3A_547 = arith.constant 0 : i32
    %dma_wait3A_548 = arith.constant 0 : i32
    %dma_wait3A_549 = tpu.memref_slice %arg6[%dma_wait3A_546, %dma_wait3A_547, %dma_wait3A_548] : memref<4x32x768xf32, #tpu.memory_space<vmem>> -> memref<1x32x768xf32, #tpu.memory_space<vmem>>
    %dma_wait3A_550 = tpu.memref_squeeze %dma_wait3A_549 : memref<1x32x768xf32, #tpu.memory_space<vmem>> -> memref<32x768xf32, #tpu.memory_space<vmem>>
    %dma_wait3A_551 = arith.constant 0 : i32
    %dma_wait3A_552 = tpu.memref_slice %arg4[%add3A_532, %dma_wait3A_551] : memref<16384x768xf32, #tpu.memory_space<hbm>> -> memref<32x768xf32, #tpu.memory_space<hbm>>
    %dma_wait3A_553 = arith.constant 0 : i32
    %dma_wait3A_554 = tpu.memref_slice %arg4[%add3A_532, %dma_wait3A_553] : memref<16384x768xf32, #tpu.memory_space<hbm>> -> memref<32x768xf32, #tpu.memory_space<hbm>>
    %dma_wait3A_555 = arith.constant 0 : i32
    %dma_wait3A_556 = arith.constant 0 : i32
    %dma_wait3A_557 = tpu.memref_slice %arg6[%dma_wait3A_546, %dma_wait3A_555, %dma_wait3A_556] : memref<4x32x768xf32, #tpu.memory_space<vmem>> -> memref<1x32x768xf32, #tpu.memory_space<vmem>>
    %dma_wait3A_558 = tpu.memref_squeeze %dma_wait3A_557 : memref<1x32x768xf32, #tpu.memory_space<vmem>> -> memref<32x768xf32, #tpu.memory_space<vmem>>
    tpu.wait_dma2 semaphore(%arg13 : memref<!tpu.dma_semaphore, #tpu.memory_space<semaphore_mem>>) src(%dma_wait3A_558 : memref<32x768xf32, #tpu.memory_space<vmem>>) dst(%dma_wait3A_554 : memref<32x768xf32, #tpu.memory_space<hbm>>)
    %dma_start3A_559 = arith.constant 2 : i32
    %dma_start3A_560 = arith.constant 0 : i32
    %dma_start3A_561 = arith.constant 0 : i32
    %dma_start3A_562 = tpu.memref_slice %arg6[%dma_start3A_559, %dma_start3A_560, %dma_start3A_561] : memref<4x32x768xf32, #tpu.memory_space<vmem>> -> memref<1x32x768xf32, #tpu.memory_space<vmem>>
    %dma_start3A_563 = tpu.memref_squeeze %dma_start3A_562 : memref<1x32x768xf32, #tpu.memory_space<vmem>> -> memref<32x768xf32, #tpu.memory_space<vmem>>
    %dma_start3A_564 = arith.constant 448 : i32
    %dma_start3A_565 = tpu.memref_slice %arg5[%dma_start3A_564] : memref<512xi32, #tpu.memory_space<vmem>> -> memref<32xi32, #tpu.memory_space<vmem>>
    %dma_start3A_566 = arith.constant 0 : i32
    %dma_start3A_567 = arith.constant 0 : i32
    %dma_start3A_568 = tpu.memref_slice %arg2[%dma_start3A_566, %dma_start3A_567] : memref<1025x768xf32, #tpu.memory_space<hbm>> -> memref<1025x768xf32, #tpu.memory_space<hbm>>
    tpu.enqueue_indirect_dma source(%dma_start3A_568 : memref<1025x768xf32, #tpu.memory_space<hbm>>) target(%dma_start3A_563 : memref<32x768xf32, #tpu.memory_space<vmem>>) offsets(%dma_start3A_565 : memref<32xi32, #tpu.memory_space<vmem>>) semaphore(%arg9 : memref<!tpu.dma_semaphore, #tpu.memory_space<semaphore_mem>>)
    %dma_wait3A_569 = arith.constant 3 : i32
    %dma_wait3A_570 = arith.constant 0 : i32
    %dma_wait3A_571 = arith.constant 0 : i32
    %dma_wait3A_572 = tpu.memref_slice %arg6[%dma_wait3A_569, %dma_wait3A_570, %dma_wait3A_571] : memref<4x32x768xf32, #tpu.memory_space<vmem>> -> memref<1x32x768xf32, #tpu.memory_space<vmem>>
    %dma_wait3A_573 = tpu.memref_squeeze %dma_wait3A_572 : memref<1x32x768xf32, #tpu.memory_space<vmem>> -> memref<32x768xf32, #tpu.memory_space<vmem>>
    %dma_wait3A_574 = arith.constant 352 : i32
    %dma_wait3A_575 = tpu.memref_slice %arg5[%dma_wait3A_574] : memref<512xi32, #tpu.memory_space<vmem>> -> memref<32xi32, #tpu.memory_space<vmem>>
    %dma_wait3A_576 = arith.constant 0 : i32
    %dma_wait3A_577 = arith.constant 0 : i32
    %dma_wait3A_578 = tpu.memref_slice %arg2[%dma_wait3A_576, %dma_wait3A_577] : memref<1025x768xf32, #tpu.memory_space<hbm>> -> memref<1025x768xf32, #tpu.memory_space<hbm>>
    tpu.wait_indirect_dma semaphore(%arg10 : memref<!tpu.dma_semaphore, #tpu.memory_space<semaphore_mem>>) src(%dma_wait3A_578 : memref<1025x768xf32, #tpu.memory_space<hbm>>) dst(%dma_wait3A_573 : memref<32x768xf32, #tpu.memory_space<vmem>>)
    %add3A_579 = arith.constant 352 : i32
    %add3A_580 = arith.addi %mul3A_2, %add3A_579 : i32
    %dma_start3A_581 = arith.constant 3 : i32
    %dma_start3A_582 = arith.constant 0 : i32
    %dma_start3A_583 = arith.constant 0 : i32
    %dma_start3A_584 = tpu.memref_slice %arg6[%dma_start3A_581, %dma_start3A_582, %dma_start3A_583] : memref<4x32x768xf32, #tpu.memory_space<vmem>> -> memref<1x32x768xf32, #tpu.memory_space<vmem>>
    %dma_start3A_585 = tpu.memref_squeeze %dma_start3A_584 : memref<1x32x768xf32, #tpu.memory_space<vmem>> -> memref<32x768xf32, #tpu.memory_space<vmem>>
    %dma_start3A_586 = arith.constant 0 : i32
    %dma_start3A_587 = tpu.memref_slice %arg4[%add3A_580, %dma_start3A_586] : memref<16384x768xf32, #tpu.memory_space<hbm>> -> memref<32x768xf32, #tpu.memory_space<hbm>>
    %dma_start3A_588 = arith.constant 0 : i32
    %dma_start3A_589 = tpu.memref_slice %arg4[%add3A_580, %dma_start3A_588] : memref<16384x768xf32, #tpu.memory_space<hbm>> -> memref<32x768xf32, #tpu.memory_space<hbm>>
    %dma_start3A_590 = arith.constant 0 : i32
    %dma_start3A_591 = arith.constant 0 : i32
    %dma_start3A_592 = tpu.memref_slice %arg6[%dma_start3A_581, %dma_start3A_590, %dma_start3A_591] : memref<4x32x768xf32, #tpu.memory_space<vmem>> -> memref<1x32x768xf32, #tpu.memory_space<vmem>>
    %dma_start3A_593 = tpu.memref_squeeze %dma_start3A_592 : memref<1x32x768xf32, #tpu.memory_space<vmem>> -> memref<32x768xf32, #tpu.memory_space<vmem>>
    tpu.enqueue_dma source(%dma_start3A_593 : memref<32x768xf32, #tpu.memory_space<vmem>>) target(%dma_start3A_589 : memref<32x768xf32, #tpu.memory_space<hbm>>) target_semaphore(%arg14 : memref<!tpu.dma_semaphore, #tpu.memory_space<semaphore_mem>>)
    %dma_wait3A_594 = arith.constant 3 : i32
    %dma_wait3A_595 = arith.constant 0 : i32
    %dma_wait3A_596 = arith.constant 0 : i32
    %dma_wait3A_597 = tpu.memref_slice %arg6[%dma_wait3A_594, %dma_wait3A_595, %dma_wait3A_596] : memref<4x32x768xf32, #tpu.memory_space<vmem>> -> memref<1x32x768xf32, #tpu.memory_space<vmem>>
    %dma_wait3A_598 = tpu.memref_squeeze %dma_wait3A_597 : memref<1x32x768xf32, #tpu.memory_space<vmem>> -> memref<32x768xf32, #tpu.memory_space<vmem>>
    %dma_wait3A_599 = arith.constant 0 : i32
    %dma_wait3A_600 = tpu.memref_slice %arg4[%add3A_580, %dma_wait3A_599] : memref<16384x768xf32, #tpu.memory_space<hbm>> -> memref<32x768xf32, #tpu.memory_space<hbm>>
    %dma_wait3A_601 = arith.constant 0 : i32
    %dma_wait3A_602 = tpu.memref_slice %arg4[%add3A_580, %dma_wait3A_601] : memref<16384x768xf32, #tpu.memory_space<hbm>> -> memref<32x768xf32, #tpu.memory_space<hbm>>
    %dma_wait3A_603 = arith.constant 0 : i32
    %dma_wait3A_604 = arith.constant 0 : i32
    %dma_wait3A_605 = tpu.memref_slice %arg6[%dma_wait3A_594, %dma_wait3A_603, %dma_wait3A_604] : memref<4x32x768xf32, #tpu.memory_space<vmem>> -> memref<1x32x768xf32, #tpu.memory_space<vmem>>
    %dma_wait3A_606 = tpu.memref_squeeze %dma_wait3A_605 : memref<1x32x768xf32, #tpu.memory_space<vmem>> -> memref<32x768xf32, #tpu.memory_space<vmem>>
    tpu.wait_dma2 semaphore(%arg14 : memref<!tpu.dma_semaphore, #tpu.memory_space<semaphore_mem>>) src(%dma_wait3A_606 : memref<32x768xf32, #tpu.memory_space<vmem>>) dst(%dma_wait3A_602 : memref<32x768xf32, #tpu.memory_space<hbm>>)
    %dma_start3A_607 = arith.constant 3 : i32
    %dma_start3A_608 = arith.constant 0 : i32
    %dma_start3A_609 = arith.constant 0 : i32
    %dma_start3A_610 = tpu.memref_slice %arg6[%dma_start3A_607, %dma_start3A_608, %dma_start3A_609] : memref<4x32x768xf32, #tpu.memory_space<vmem>> -> memref<1x32x768xf32, #tpu.memory_space<vmem>>
    %dma_start3A_611 = tpu.memref_squeeze %dma_start3A_610 : memref<1x32x768xf32, #tpu.memory_space<vmem>> -> memref<32x768xf32, #tpu.memory_space<vmem>>
    %dma_start3A_612 = arith.constant 480 : i32
    %dma_start3A_613 = tpu.memref_slice %arg5[%dma_start3A_612] : memref<512xi32, #tpu.memory_space<vmem>> -> memref<32xi32, #tpu.memory_space<vmem>>
    %dma_start3A_614 = arith.constant 0 : i32
    %dma_start3A_615 = arith.constant 0 : i32
    %dma_start3A_616 = tpu.memref_slice %arg2[%dma_start3A_614, %dma_start3A_615] : memref<1025x768xf32, #tpu.memory_space<hbm>> -> memref<1025x768xf32, #tpu.memory_space<hbm>>
    tpu.enqueue_indirect_dma source(%dma_start3A_616 : memref<1025x768xf32, #tpu.memory_space<hbm>>) target(%dma_start3A_611 : memref<32x768xf32, #tpu.memory_space<vmem>>) offsets(%dma_start3A_613 : memref<32xi32, #tpu.memory_space<vmem>>) semaphore(%arg10 : memref<!tpu.dma_semaphore, #tpu.memory_space<semaphore_mem>>)
    %dma_wait3A_617 = arith.constant 0 : i32
    %dma_wait3A_618 = arith.constant 0 : i32
    %dma_wait3A_619 = arith.constant 0 : i32
    %dma_wait3A_620 = tpu.memref_slice %arg6[%dma_wait3A_617, %dma_wait3A_618, %dma_wait3A_619] : memref<4x32x768xf32, #tpu.memory_space<vmem>> -> memref<1x32x768xf32, #tpu.memory_space<vmem>>
    %dma_wait3A_621 = tpu.memref_squeeze %dma_wait3A_620 : memref<1x32x768xf32, #tpu.memory_space<vmem>> -> memref<32x768xf32, #tpu.memory_space<vmem>>
    %dma_wait3A_622 = arith.constant 384 : i32
    %dma_wait3A_623 = tpu.memref_slice %arg5[%dma_wait3A_622] : memref<512xi32, #tpu.memory_space<vmem>> -> memref<32xi32, #tpu.memory_space<vmem>>
    %dma_wait3A_624 = arith.constant 0 : i32
    %dma_wait3A_625 = arith.constant 0 : i32
    %dma_wait3A_626 = tpu.memref_slice %arg2[%dma_wait3A_624, %dma_wait3A_625] : memref<1025x768xf32, #tpu.memory_space<hbm>> -> memref<1025x768xf32, #tpu.memory_space<hbm>>
    tpu.wait_indirect_dma semaphore(%arg7 : memref<!tpu.dma_semaphore, #tpu.memory_space<semaphore_mem>>) src(%dma_wait3A_626 : memref<1025x768xf32, #tpu.memory_space<hbm>>) dst(%dma_wait3A_621 : memref<32x768xf32, #tpu.memory_space<vmem>>)
    %add3A_627 = arith.constant 384 : i32
    %add3A_628 = arith.addi %mul3A_2, %add3A_627 : i32
    %dma_start3A_629 = arith.constant 0 : i32
    %dma_start3A_630 = arith.constant 0 : i32
    %dma_start3A_631 = arith.constant 0 : i32
    %dma_start3A_632 = tpu.memref_slice %arg6[%dma_start3A_629, %dma_start3A_630, %dma_start3A_631] : memref<4x32x768xf32, #tpu.memory_space<vmem>> -> memref<1x32x768xf32, #tpu.memory_space<vmem>>
    %dma_start3A_633 = tpu.memref_squeeze %dma_start3A_632 : memref<1x32x768xf32, #tpu.memory_space<vmem>> -> memref<32x768xf32, #tpu.memory_space<vmem>>
    %dma_start3A_634 = arith.constant 0 : i32
    %dma_start3A_635 = tpu.memref_slice %arg4[%add3A_628, %dma_start3A_634] : memref<16384x768xf32, #tpu.memory_space<hbm>> -> memref<32x768xf32, #tpu.memory_space<hbm>>
    %dma_start3A_636 = arith.constant 0 : i32
    %dma_start3A_637 = tpu.memref_slice %arg4[%add3A_628, %dma_start3A_636] : memref<16384x768xf32, #tpu.memory_space<hbm>> -> memref<32x768xf32, #tpu.memory_space<hbm>>
    %dma_start3A_638 = arith.constant 0 : i32
    %dma_start3A_639 = arith.constant 0 : i32
    %dma_start3A_640 = tpu.memref_slice %arg6[%dma_start3A_629, %dma_start3A_638, %dma_start3A_639] : memref<4x32x768xf32, #tpu.memory_space<vmem>> -> memref<1x32x768xf32, #tpu.memory_space<vmem>>
    %dma_start3A_641 = tpu.memref_squeeze %dma_start3A_640 : memref<1x32x768xf32, #tpu.memory_space<vmem>> -> memref<32x768xf32, #tpu.memory_space<vmem>>
    tpu.enqueue_dma source(%dma_start3A_641 : memref<32x768xf32, #tpu.memory_space<vmem>>) target(%dma_start3A_637 : memref<32x768xf32, #tpu.memory_space<hbm>>) target_semaphore(%arg11 : memref<!tpu.dma_semaphore, #tpu.memory_space<semaphore_mem>>)
    %dma_wait3A_642 = arith.constant 1 : i32
    %dma_wait3A_643 = arith.constant 0 : i32
    %dma_wait3A_644 = arith.constant 0 : i32
    %dma_wait3A_645 = tpu.memref_slice %arg6[%dma_wait3A_642, %dma_wait3A_643, %dma_wait3A_644] : memref<4x32x768xf32, #tpu.memory_space<vmem>> -> memref<1x32x768xf32, #tpu.memory_space<vmem>>
    %dma_wait3A_646 = tpu.memref_squeeze %dma_wait3A_645 : memref<1x32x768xf32, #tpu.memory_space<vmem>> -> memref<32x768xf32, #tpu.memory_space<vmem>>
    %dma_wait3A_647 = arith.constant 416 : i32
    %dma_wait3A_648 = tpu.memref_slice %arg5[%dma_wait3A_647] : memref<512xi32, #tpu.memory_space<vmem>> -> memref<32xi32, #tpu.memory_space<vmem>>
    %dma_wait3A_649 = arith.constant 0 : i32
    %dma_wait3A_650 = arith.constant 0 : i32
    %dma_wait3A_651 = tpu.memref_slice %arg2[%dma_wait3A_649, %dma_wait3A_650] : memref<1025x768xf32, #tpu.memory_space<hbm>> -> memref<1025x768xf32, #tpu.memory_space<hbm>>
    tpu.wait_indirect_dma semaphore(%arg8 : memref<!tpu.dma_semaphore, #tpu.memory_space<semaphore_mem>>) src(%dma_wait3A_651 : memref<1025x768xf32, #tpu.memory_space<hbm>>) dst(%dma_wait3A_646 : memref<32x768xf32, #tpu.memory_space<vmem>>)
    %add3A_652 = arith.constant 416 : i32
    %add3A_653 = arith.addi %mul3A_2, %add3A_652 : i32
    %dma_start3A_654 = arith.constant 1 : i32
    %dma_start3A_655 = arith.constant 0 : i32
    %dma_start3A_656 = arith.constant 0 : i32
    %dma_start3A_657 = tpu.memref_slice %arg6[%dma_start3A_654, %dma_start3A_655, %dma_start3A_656] : memref<4x32x768xf32, #tpu.memory_space<vmem>> -> memref<1x32x768xf32, #tpu.memory_space<vmem>>
    %dma_start3A_658 = tpu.memref_squeeze %dma_start3A_657 : memref<1x32x768xf32, #tpu.memory_space<vmem>> -> memref<32x768xf32, #tpu.memory_space<vmem>>
    %dma_start3A_659 = arith.constant 0 : i32
    %dma_start3A_660 = tpu.memref_slice %arg4[%add3A_653, %dma_start3A_659] : memref<16384x768xf32, #tpu.memory_space<hbm>> -> memref<32x768xf32, #tpu.memory_space<hbm>>
    %dma_start3A_661 = arith.constant 0 : i32
    %dma_start3A_662 = tpu.memref_slice %arg4[%add3A_653, %dma_start3A_661] : memref<16384x768xf32, #tpu.memory_space<hbm>> -> memref<32x768xf32, #tpu.memory_space<hbm>>
    %dma_start3A_663 = arith.constant 0 : i32
    %dma_start3A_664 = arith.constant 0 : i32
    %dma_start3A_665 = tpu.memref_slice %arg6[%dma_start3A_654, %dma_start3A_663, %dma_start3A_664] : memref<4x32x768xf32, #tpu.memory_space<vmem>> -> memref<1x32x768xf32, #tpu.memory_space<vmem>>
    %dma_start3A_666 = tpu.memref_squeeze %dma_start3A_665 : memref<1x32x768xf32, #tpu.memory_space<vmem>> -> memref<32x768xf32, #tpu.memory_space<vmem>>
    tpu.enqueue_dma source(%dma_start3A_666 : memref<32x768xf32, #tpu.memory_space<vmem>>) target(%dma_start3A_662 : memref<32x768xf32, #tpu.memory_space<hbm>>) target_semaphore(%arg12 : memref<!tpu.dma_semaphore, #tpu.memory_space<semaphore_mem>>)
    %dma_wait3A_667 = arith.constant 2 : i32
    %dma_wait3A_668 = arith.constant 0 : i32
    %dma_wait3A_669 = arith.constant 0 : i32
    %dma_wait3A_670 = tpu.memref_slice %arg6[%dma_wait3A_667, %dma_wait3A_668, %dma_wait3A_669] : memref<4x32x768xf32, #tpu.memory_space<vmem>> -> memref<1x32x768xf32, #tpu.memory_space<vmem>>
    %dma_wait3A_671 = tpu.memref_squeeze %dma_wait3A_670 : memref<1x32x768xf32, #tpu.memory_space<vmem>> -> memref<32x768xf32, #tpu.memory_space<vmem>>
    %dma_wait3A_672 = arith.constant 448 : i32
    %dma_wait3A_673 = tpu.memref_slice %arg5[%dma_wait3A_672] : memref<512xi32, #tpu.memory_space<vmem>> -> memref<32xi32, #tpu.memory_space<vmem>>
    %dma_wait3A_674 = arith.constant 0 : i32
    %dma_wait3A_675 = arith.constant 0 : i32
    %dma_wait3A_676 = tpu.memref_slice %arg2[%dma_wait3A_674, %dma_wait3A_675] : memref<1025x768xf32, #tpu.memory_space<hbm>> -> memref<1025x768xf32, #tpu.memory_space<hbm>>
    tpu.wait_indirect_dma semaphore(%arg9 : memref<!tpu.dma_semaphore, #tpu.memory_space<semaphore_mem>>) src(%dma_wait3A_676 : memref<1025x768xf32, #tpu.memory_space<hbm>>) dst(%dma_wait3A_671 : memref<32x768xf32, #tpu.memory_space<vmem>>)
    %add3A_677 = arith.constant 448 : i32
    %add3A_678 = arith.addi %mul3A_2, %add3A_677 : i32
    %dma_start3A_679 = arith.constant 2 : i32
    %dma_start3A_680 = arith.constant 0 : i32
    %dma_start3A_681 = arith.constant 0 : i32
    %dma_start3A_682 = tpu.memref_slice %arg6[%dma_start3A_679, %dma_start3A_680, %dma_start3A_681] : memref<4x32x768xf32, #tpu.memory_space<vmem>> -> memref<1x32x768xf32, #tpu.memory_space<vmem>>
    %dma_start3A_683 = tpu.memref_squeeze %dma_start3A_682 : memref<1x32x768xf32, #tpu.memory_space<vmem>> -> memref<32x768xf32, #tpu.memory_space<vmem>>
    %dma_start3A_684 = arith.constant 0 : i32
    %dma_start3A_685 = tpu.memref_slice %arg4[%add3A_678, %dma_start3A_684] : memref<16384x768xf32, #tpu.memory_space<hbm>> -> memref<32x768xf32, #tpu.memory_space<hbm>>
    %dma_start3A_686 = arith.constant 0 : i32
    %dma_start3A_687 = tpu.memref_slice %arg4[%add3A_678, %dma_start3A_686] : memref<16384x768xf32, #tpu.memory_space<hbm>> -> memref<32x768xf32, #tpu.memory_space<hbm>>
    %dma_start3A_688 = arith.constant 0 : i32
    %dma_start3A_689 = arith.constant 0 : i32
    %dma_start3A_690 = tpu.memref_slice %arg6[%dma_start3A_679, %dma_start3A_688, %dma_start3A_689] : memref<4x32x768xf32, #tpu.memory_space<vmem>> -> memref<1x32x768xf32, #tpu.memory_space<vmem>>
    %dma_start3A_691 = tpu.memref_squeeze %dma_start3A_690 : memref<1x32x768xf32, #tpu.memory_space<vmem>> -> memref<32x768xf32, #tpu.memory_space<vmem>>
    tpu.enqueue_dma source(%dma_start3A_691 : memref<32x768xf32, #tpu.memory_space<vmem>>) target(%dma_start3A_687 : memref<32x768xf32, #tpu.memory_space<hbm>>) target_semaphore(%arg13 : memref<!tpu.dma_semaphore, #tpu.memory_space<semaphore_mem>>)
    %dma_wait3A_692 = arith.constant 3 : i32
    %dma_wait3A_693 = arith.constant 0 : i32
    %dma_wait3A_694 = arith.constant 0 : i32
    %dma_wait3A_695 = tpu.memref_slice %arg6[%dma_wait3A_692, %dma_wait3A_693, %dma_wait3A_694] : memref<4x32x768xf32, #tpu.memory_space<vmem>> -> memref<1x32x768xf32, #tpu.memory_space<vmem>>
    %dma_wait3A_696 = tpu.memref_squeeze %dma_wait3A_695 : memref<1x32x768xf32, #tpu.memory_space<vmem>> -> memref<32x768xf32, #tpu.memory_space<vmem>>
    %dma_wait3A_697 = arith.constant 480 : i32
    %dma_wait3A_698 = tpu.memref_slice %arg5[%dma_wait3A_697] : memref<512xi32, #tpu.memory_space<vmem>> -> memref<32xi32, #tpu.memory_space<vmem>>
    %dma_wait3A_699 = arith.constant 0 : i32
    %dma_wait3A_700 = arith.constant 0 : i32
    %dma_wait3A_701 = tpu.memref_slice %arg2[%dma_wait3A_699, %dma_wait3A_700] : memref<1025x768xf32, #tpu.memory_space<hbm>> -> memref<1025x768xf32, #tpu.memory_space<hbm>>
    tpu.wait_indirect_dma semaphore(%arg10 : memref<!tpu.dma_semaphore, #tpu.memory_space<semaphore_mem>>) src(%dma_wait3A_701 : memref<1025x768xf32, #tpu.memory_space<hbm>>) dst(%dma_wait3A_696 : memref<32x768xf32, #tpu.memory_space<vmem>>)
    %add3A_702 = arith.constant 480 : i32
    %add3A_703 = arith.addi %mul3A_2, %add3A_702 : i32
    %dma_start3A_704 = arith.constant 3 : i32
    %dma_start3A_705 = arith.constant 0 : i32
    %dma_start3A_706 = arith.constant 0 : i32
    %dma_start3A_707 = tpu.memref_slice %arg6[%dma_start3A_704, %dma_start3A_705, %dma_start3A_706] : memref<4x32x768xf32, #tpu.memory_space<vmem>> -> memref<1x32x768xf32, #tpu.memory_space<vmem>>
    %dma_start3A_708 = tpu.memref_squeeze %dma_start3A_707 : memref<1x32x768xf32, #tpu.memory_space<vmem>> -> memref<32x768xf32, #tpu.memory_space<vmem>>
    %dma_start3A_709 = arith.constant 0 : i32
    %dma_start3A_710 = tpu.memref_slice %arg4[%add3A_703, %dma_start3A_709] : memref<16384x768xf32, #tpu.memory_space<hbm>> -> memref<32x768xf32, #tpu.memory_space<hbm>>
    %dma_start3A_711 = arith.constant 0 : i32
    %dma_start3A_712 = tpu.memref_slice %arg4[%add3A_703, %dma_start3A_711] : memref<16384x768xf32, #tpu.memory_space<hbm>> -> memref<32x768xf32, #tpu.memory_space<hbm>>
    %dma_start3A_713 = arith.constant 0 : i32
    %dma_start3A_714 = arith.constant 0 : i32
    %dma_start3A_715 = tpu.memref_slice %arg6[%dma_start3A_704, %dma_start3A_713, %dma_start3A_714] : memref<4x32x768xf32, #tpu.memory_space<vmem>> -> memref<1x32x768xf32, #tpu.memory_space<vmem>>
    %dma_start3A_716 = tpu.memref_squeeze %dma_start3A_715 : memref<1x32x768xf32, #tpu.memory_space<vmem>> -> memref<32x768xf32, #tpu.memory_space<vmem>>
    tpu.enqueue_dma source(%dma_start3A_716 : memref<32x768xf32, #tpu.memory_space<vmem>>) target(%dma_start3A_712 : memref<32x768xf32, #tpu.memory_space<hbm>>) target_semaphore(%arg14 : memref<!tpu.dma_semaphore, #tpu.memory_space<semaphore_mem>>)
    %dma_wait3A_717 = arith.constant 0 : i32
    %dma_wait3A_718 = arith.constant 0 : i32
    %dma_wait3A_719 = arith.constant 0 : i32
    %dma_wait3A_720 = tpu.memref_slice %arg6[%dma_wait3A_717, %dma_wait3A_718, %dma_wait3A_719] : memref<4x32x768xf32, #tpu.memory_space<vmem>> -> memref<1x32x768xf32, #tpu.memory_space<vmem>>
    %dma_wait3A_721 = tpu.memref_squeeze %dma_wait3A_720 : memref<1x32x768xf32, #tpu.memory_space<vmem>> -> memref<32x768xf32, #tpu.memory_space<vmem>>
    %dma_wait3A_722 = arith.constant 0 : i32
    %dma_wait3A_723 = tpu.memref_slice %arg4[%add3A_628, %dma_wait3A_722] : memref<16384x768xf32, #tpu.memory_space<hbm>> -> memref<32x768xf32, #tpu.memory_space<hbm>>
    %dma_wait3A_724 = arith.constant 0 : i32
    %dma_wait3A_725 = tpu.memref_slice %arg4[%add3A_628, %dma_wait3A_724] : memref<16384x768xf32, #tpu.memory_space<hbm>> -> memref<32x768xf32, #tpu.memory_space<hbm>>
    %dma_wait3A_726 = arith.constant 0 : i32
    %dma_wait3A_727 = arith.constant 0 : i32
    %dma_wait3A_728 = tpu.memref_slice %arg6[%dma_wait3A_717, %dma_wait3A_726, %dma_wait3A_727] : memref<4x32x768xf32, #tpu.memory_space<vmem>> -> memref<1x32x768xf32, #tpu.memory_space<vmem>>
    %dma_wait3A_729 = tpu.memref_squeeze %dma_wait3A_728 : memref<1x32x768xf32, #tpu.memory_space<vmem>> -> memref<32x768xf32, #tpu.memory_space<vmem>>
    tpu.wait_dma2 semaphore(%arg11 : memref<!tpu.dma_semaphore, #tpu.memory_space<semaphore_mem>>) src(%dma_wait3A_729 : memref<32x768xf32, #tpu.memory_space<vmem>>) dst(%dma_wait3A_725 : memref<32x768xf32, #tpu.memory_space<hbm>>)
    %dma_wait3A_730 = arith.constant 1 : i32
    %dma_wait3A_731 = arith.constant 0 : i32
    %dma_wait3A_732 = arith.constant 0 : i32
    %dma_wait3A_733 = tpu.memref_slice %arg6[%dma_wait3A_730, %dma_wait3A_731, %dma_wait3A_732] : memref<4x32x768xf32, #tpu.memory_space<vmem>> -> memref<1x32x768xf32, #tpu.memory_space<vmem>>
    %dma_wait3A_734 = tpu.memref_squeeze %dma_wait3A_733 : memref<1x32x768xf32, #tpu.memory_space<vmem>> -> memref<32x768xf32, #tpu.memory_space<vmem>>
    %dma_wait3A_735 = arith.constant 0 : i32
    %dma_wait3A_736 = tpu.memref_slice %arg4[%add3A_653, %dma_wait3A_735] : memref<16384x768xf32, #tpu.memory_space<hbm>> -> memref<32x768xf32, #tpu.memory_space<hbm>>
    %dma_wait3A_737 = arith.constant 0 : i32
    %dma_wait3A_738 = tpu.memref_slice %arg4[%add3A_653, %dma_wait3A_737] : memref<16384x768xf32, #tpu.memory_space<hbm>> -> memref<32x768xf32, #tpu.memory_space<hbm>>
    %dma_wait3A_739 = arith.constant 0 : i32
    %dma_wait3A_740 = arith.constant 0 : i32
    %dma_wait3A_741 = tpu.memref_slice %arg6[%dma_wait3A_730, %dma_wait3A_739, %dma_wait3A_740] : memref<4x32x768xf32, #tpu.memory_space<vmem>> -> memref<1x32x768xf32, #tpu.memory_space<vmem>>
    %dma_wait3A_742 = tpu.memref_squeeze %dma_wait3A_741 : memref<1x32x768xf32, #tpu.memory_space<vmem>> -> memref<32x768xf32, #tpu.memory_space<vmem>>
    tpu.wait_dma2 semaphore(%arg12 : memref<!tpu.dma_semaphore, #tpu.memory_space<semaphore_mem>>) src(%dma_wait3A_742 : memref<32x768xf32, #tpu.memory_space<vmem>>) dst(%dma_wait3A_738 : memref<32x768xf32, #tpu.memory_space<hbm>>)
    %dma_wait3A_743 = arith.constant 2 : i32
    %dma_wait3A_744 = arith.constant 0 : i32
    %dma_wait3A_745 = arith.constant 0 : i32
    %dma_wait3A_746 = tpu.memref_slice %arg6[%dma_wait3A_743, %dma_wait3A_744, %dma_wait3A_745] : memref<4x32x768xf32, #tpu.memory_space<vmem>> -> memref<1x32x768xf32, #tpu.memory_space<vmem>>
    %dma_wait3A_747 = tpu.memref_squeeze %dma_wait3A_746 : memref<1x32x768xf32, #tpu.memory_space<vmem>> -> memref<32x768xf32, #tpu.memory_space<vmem>>
    %dma_wait3A_748 = arith.constant 0 : i32
    %dma_wait3A_749 = tpu.memref_slice %arg4[%add3A_678, %dma_wait3A_748] : memref<16384x768xf32, #tpu.memory_space<hbm>> -> memref<32x768xf32, #tpu.memory_space<hbm>>
    %dma_wait3A_750 = arith.constant 0 : i32
    %dma_wait3A_751 = tpu.memref_slice %arg4[%add3A_678, %dma_wait3A_750] : memref<16384x768xf32, #tpu.memory_space<hbm>> -> memref<32x768xf32, #tpu.memory_space<hbm>>
    %dma_wait3A_752 = arith.constant 0 : i32
    %dma_wait3A_753 = arith.constant 0 : i32
    %dma_wait3A_754 = tpu.memref_slice %arg6[%dma_wait3A_743, %dma_wait3A_752, %dma_wait3A_753] : memref<4x32x768xf32, #tpu.memory_space<vmem>> -> memref<1x32x768xf32, #tpu.memory_space<vmem>>
    %dma_wait3A_755 = tpu.memref_squeeze %dma_wait3A_754 : memref<1x32x768xf32, #tpu.memory_space<vmem>> -> memref<32x768xf32, #tpu.memory_space<vmem>>
    tpu.wait_dma2 semaphore(%arg13 : memref<!tpu.dma_semaphore, #tpu.memory_space<semaphore_mem>>) src(%dma_wait3A_755 : memref<32x768xf32, #tpu.memory_space<vmem>>) dst(%dma_wait3A_751 : memref<32x768xf32, #tpu.memory_space<hbm>>)
    %dma_wait3A_756 = arith.constant 3 : i32
    %dma_wait3A_757 = arith.constant 0 : i32
    %dma_wait3A_758 = arith.constant 0 : i32
    %dma_wait3A_759 = tpu.memref_slice %arg6[%dma_wait3A_756, %dma_wait3A_757, %dma_wait3A_758] : memref<4x32x768xf32, #tpu.memory_space<vmem>> -> memref<1x32x768xf32, #tpu.memory_space<vmem>>
    %dma_wait3A_760 = tpu.memref_squeeze %dma_wait3A_759 : memref<1x32x768xf32, #tpu.memory_space<vmem>> -> memref<32x768xf32, #tpu.memory_space<vmem>>
    %dma_wait3A_761 = arith.constant 0 : i32
    %dma_wait3A_762 = tpu.memref_slice %arg4[%add3A_703, %dma_wait3A_761] : memref<16384x768xf32, #tpu.memory_space<hbm>> -> memref<32x768xf32, #tpu.memory_space<hbm>>
    %dma_wait3A_763 = arith.constant 0 : i32
    %dma_wait3A_764 = tpu.memref_slice %arg4[%add3A_703, %dma_wait3A_763] : memref<16384x768xf32, #tpu.memory_space<hbm>> -> memref<32x768xf32, #tpu.memory_space<hbm>>
    %dma_wait3A_765 = arith.constant 0 : i32
    %dma_wait3A_766 = arith.constant 0 : i32
    %dma_wait3A_767 = tpu.memref_slice %arg6[%dma_wait3A_756, %dma_wait3A_765, %dma_wait3A_766] : memref<4x32x768xf32, #tpu.memory_space<vmem>> -> memref<1x32x768xf32, #tpu.memory_space<vmem>>
    %dma_wait3A_768 = tpu.memref_squeeze %dma_wait3A_767 : memref<1x32x768xf32, #tpu.memory_space<vmem>> -> memref<32x768xf32, #tpu.memory_space<vmem>>
    tpu.wait_dma2 semaphore(%arg14 : memref<!tpu.dma_semaphore, #tpu.memory_space<semaphore_mem>>) src(%dma_wait3A_768 : memref<32x768xf32, #tpu.memory_space<vmem>>) dst(%dma_wait3A_764 : memref<32x768xf32, #tpu.memory_space<hbm>>)
    return
  }
}

</mosaic_0001>

<sc_bundles>
// kernel: kernel.3.cloned.1.call-start
scs
__scs_entry_jumppad:
0x0: {  	(pc) =	sbr.rel $0x88, $3  }
0x1: {  	(tag) =	ssettag $0x0;
	lr =	simm.s32 $0x1  }
0x2: {  	[smem:$0x3F9F] =	sst lr;
	_ =	strace $0xD0000000  }
0x3: {  	_ = 	snop  }
0x4: {  	_ = 	snop  }
0x5: {  	_ = 	snop  }
0x6: {  	_ = 	snop  }
0x7: {  	_ = 	snop  }
__scs_overlays_trampoline_lowered:
0x8: {  	[smem:$0x3FAE] =	sst s0  }
0x9: {  	[smem:$0x3FAF] =	sst s1  }
0xa: {  	[smem:$0x3FB0] =	sst s2  }
0xb: {  	[smem:$0x3FB1] =	sst s3  }
0xc: {  	[smem:$0x3FB2] =	sst s4  }
0xd: {  	[smem:$0x3FB3] =	sst s5  }
0xe: {  	[smem:$0x3FB4] =	sst s6  }
0xf: {  	[smem:$0x3FB5] =	sst s7  }
0x10: {  	[smem:$0x3FB6] =	sst s8  }
0x11: {  	[smem:$0x3FB7] =	sst s9;
	s0 =	simm.s32 @!p0 $0x0  }
0x12: {  	s1 =	sld [smem:$0x3F9D];
	s0 =	simm.s32 @p0 $0x1  }
0x13: {  	[smem:$0x3FB8] =	sst s0;
	s0 =	simm.s32 @!p1 $0x0  }
0x14: {  	s2 =	sld [smem:$0x3F9C];
	s0 =	simm.s32 @p1 $0x1  }
0x15: {  	[smem:$0x3FB9] =	sst s0;
	s0 =	simm.s32 @!p2 $0x0  }
0x16: {  	s3 =	sld [smem:$0x3FDB];
	s0 =	simm.s32 @p2 $0x1  }
0x17: {  	s4 =	simm.s32 $0x1BF5;
	[smem:$0x3FBB] =	sst s0  }
0x18: {  	s0 =	sld [smem:$0x3F9E];
	_ =	swait.ge [sflag:s4], $0x0  }
0x19: {  	s7 =	sld [smem:$0x3F9F]  }
0x1a: {  	s8 =	sadd.s32 $0xFFFFE003, lr  }
0x1b: {  	s9 =	sadd.s32 $0xFFFFFEF7, lr;
	s5 =	simm.s32 $0xFFFFFFFF;
	p2 =	slt.u32 s8, $0xFFFFF086  }
0x1c: {  	p1 =	slt.u32 s9, $0xF7A;
	s5 =	simm.s32 @!p2 $0x0  }
0x1d: {  	s5 =	simm.s32 @p1 $0x1;
	p0 =	seq.s32 s7, s2  }
0x1e: {  	s7 =	smul.u32 @!p0 $0xF7A, s2;
	p2 =	seq.s32 @!p0 s5, $0x0  }
0x1f: {  	s9 =	smul.u32 $0xF7A, s1;
	s8 =	simm.s32 @!p0 $0x1BF5;
	p2 =	por !p2, p0  }
0x20: {  	[sflag:s8] =	ssyncset.s32 @!p0 $0xFFFFF086;
	s6 =	sadd.s32 @!p0 s3, s7;
	s7 =	simm.s32 @!p0 $0x108  }
0x21: {  	s3 =	sadd.s32 s3, s9;
	s6 =	sadd.s32 @!p0 $0x88, s6;
	s7 =	simm.s32 @p2 $0x1082  }
0x22: {  	[simem:s7], [sflag:s8] =	dma.local @!p0 [hbm:s6], $0xF7A  }
0x23: {  	s9 =	sor.u32 $0xD0000000, s2;
	s6 =	simm.s32 $0x108;
	_ =	swait.ge @!p0 [sflag:s8], $0x0  }
0x24: {  	s3 =	sadd.s32 $0x88, s3;
	s6 =	simm.s32 @!p1 $0x1082;
	[sflag:s4] =	ssyncset.s32 $0xFFFFF086  }
0x25: {  	[simem:s6], [sflag:s4] =	dma.local [hbm:s3], $0xF7A  }
0x26: {  	[smem:$0x3F9F] =	sst s1;
	(tag) =	ssettag s2;
	_ =	strace s9  }
0x27: {  	s1 =	sld [smem:$0x3FAF]  }
0x28: {  	s2 =	sld [smem:$0x3FB0]  }
0x29: {  	s4 =	sld [smem:$0x3FB2]  }
0x2a: {  	p0 =	seq.s32 s5, $0x0;
	s5 =	sld [smem:$0x3FB3]  }
0x2b: {  	s6 =	sld [smem:$0x3FB4]  }
0x2c: {  	s7 =	sld [smem:$0x3FB5]  }
0x2d: {  	s3 =	simm.s32 $0x108;
	s8 =	sld [smem:$0x3FB6]  }
0x2e: {  	s3 =	simm.s32 @!p0 $0x1082;
	s9 =	sld [smem:$0x3FB7]  }
0x2f: {  	lr =	sadd.s32 s0, s3;
	s0 =	sld [smem:$0x3FAE]  }
0x30: {  	s3 =	sld [smem:$0x3FB1]  }
0x31: {  	[smem:$0x3FBA] =	sst s10  }
0x32: {  	s10 =	sld [smem:$0x3FB8];
	_ =	sdelay $0x3  }
0x33: {  	p0 =	seq.s32 s10, $0x1;
	s10 =	sld [smem:$0x3FBA];
	_ =	sdelay $0x3  }
0x34: {  	[smem:$0x3FBA] =	sst s10  }
0x35: {  	s10 =	sld [smem:$0x3FB9];
	_ =	sdelay $0x3  }
0x36: {  	p1 =	seq.s32 s10, $0x1;
	s10 =	sld [smem:$0x3FBA];
	_ =	sdelay $0x3  }
0x37: {  	[smem:$0x3FBA] =	sst s10  }
0x38: {  	s10 =	sld [smem:$0x3FBB]  }
0x39: {  	_ = 	snop;
	(pc) =	sbr.ind lr, $3  }
0x3a: {  	_ = 	snop  }
0x3b: {  	_ = 	snop  }
0x3c: {  	p2 =	seq.s32 s10, $0x1;
	s10 =	sld [smem:$0x3FBA]  }
0x3d: {  	_ =	shalt  }
0x3e: {  	_ =	shalt  }
0x3f: {  	_ =	shalt  }
0x40: {  	_ =	shalt  }
0x41: {  	_ =	shalt  }
0x42: {  	_ =	shalt  }
0x43: {  	_ =	shalt  }
0x44: {  	_ =	shalt  }
0x45: {  	_ =	shalt  }
0x46: {  	_ =	shalt  }
0x47: {  	_ =	shalt  }
0x48: {  	_ =	shalt  }
0x49: {  	_ =	shalt  }
0x4a: {  	_ =	shalt  }
0x4b: {  	_ =	shalt  }
0x4c: {  	_ =	shalt  }
0x4d: {  	_ =	shalt  }
0x4e: {  	_ =	shalt  }
0x4f: {  	_ =	shalt  }
0x50: {  	_ =	shalt  }
0x51: {  	_ =	shalt  }
0x52: {  	_ =	shalt  }
0x53: {  	_ =	shalt  }
0x54: {  	_ =	shalt  }
0x55: {  	_ =	shalt  }
0x56: {  	_ =	shalt  }
0x57: {  	_ =	shalt  }
0x58: {  	_ =	shalt  }
0x59: {  	_ =	shalt  }
0x5a: {  	_ =	shalt  }
0x5b: {  	_ =	shalt  }
0x5c: {  	_ =	shalt  }
0x5d: {  	_ =	shalt  }
0x5e: {  	_ =	shalt  }
0x5f: {  	_ =	shalt  }
0x60: {  	_ =	shalt  }
0x61: {  	_ =	shalt  }
0x62: {  	_ =	shalt  }
0x63: {  	_ =	shalt  }
0x64: {  	_ =	shalt  }
0x65: {  	_ =	shalt  }
0x66: {  	_ =	shalt  }
0x67: {  	_ =	shalt  }
0x68: {  	_ =	shalt  }
0x69: {  	_ =	shalt  }
0x6a: {  	_ =	shalt  }
0x6b: {  	_ =	shalt  }
0x6c: {  	_ =	shalt  }
0x6d: {  	_ =	shalt  }
0x6e: {  	_ =	shalt  }
0x6f: {  	_ =	shalt  }
0x70: {  	_ =	shalt  }
0x71: {  	_ =	shalt  }
0x72: {  	_ =	shalt  }
0x73: {  	_ =	shalt  }
0x74: {  	_ =	shalt  }
0x75: {  	_ =	shalt  }
0x76: {  	_ =	shalt  }
0x77: {  	_ =	shalt  }
0x78: {  	_ =	shalt  }
0x79: {  	_ =	shalt  }
0x7a: {  	_ =	shalt  }
0x7b: {  	_ =	shalt  }
0x7c: {  	_ =	shalt  }
0x7d: {  	_ =	shalt  }
0x7e: {  	_ =	shalt  }
0x7f: {  	_ =	shalt  }
0x80: {  	_ =	shalt  }
0x81: {  	_ =	shalt  }
0x82: {  	_ =	shalt  }
0x83: {  	_ =	shalt  }
0x84: {  	_ =	shalt  }
0x85: {  	_ =	shalt  }
0x86: {  	_ =	shalt  }
0x87: {  	_ =	shalt  }
.Lfunc_end0:
.L_simem_size_0:
called_computation_lowered:
.L_overlay_start_0:
0x88: {  	s2 =	sld [smem:$0x3FD9]  }
0x89: {  	s3 =	sld [smem:$0x3FFE];
	_ =	sdelay $0x1  }
0x8a: {  	s1 =	srdreg.scid  }
0x8b: {  	s0 =	sand.u32 $0x1, s1  }
0x8c: {  	s18 =	sshll.u32 s0, $0xA;
	s2 =	sadd.s32 s3, s2  }
0x8d: {  	s2 =	sadd.s32 s2, s18  }
0x8e: {  	[smem:$0x3FC6] =	sst s2  }
0x8f: {  	_ = 	snop  }
0x90: {  	s2 =	sld [smem:$0x3FC9]  }
0x91: {  	s19 =	sld [smem:$0x3FC8]  }
0x92: {  	s4 =	sld [smem:$0x3FD0];
	(tm) =	ssettm $0x1  }
0x93: {  	s5 =	sld [smem:$0x3FFB];
	_ =	sdelay $0x3  }
0x94: {  	_ =	strace s5  }
0x95: {  	s5 =	sld [smem:$0x3FFC];
	_ =	sdelay $0x3  }
0x96: {  	_ =	strace s5  }
0x97: {  	s5 =	sld [smem:$0x3FFD];
	_ =	sdelay $0x3  }
0x98: {  	_ =	strace s5  }
0x99: {  	_ =	strace $0x8FFFFFFF  }
0x9a: {  	s20 =	sld [smem:$0x3FDB];
	_ =	sdelay $0x1  }
0x9b: {  	s6 =	simm.s32 $_scs_section_size  }
0x9c: {  	s7 =	simm.s32 $_size__tile_overlayer_lowered;
	s8 =	simm.s32 $_tile_overlayer_lowered  }
0x9d: {  	s23 =	simm.s32 $0x1BFF;
	s22 =	sshll.u32 s8, $0x1;
	s5 =	sadd.s32 s6, s20  }
0x9e: {  	s9 =	simm.s32 $0x0;
	s21 =	sshll.u32 s7, $0x1;
	s7 =	sadd.s32 s22, s5  }
0x9f: {  	[timem:s9], [sflag:s23] =	dma.local [hbm:s7], s21  }
0xa0: {  	_ =	swait.ge [sflag:s23], s21  }
0xa1: {  	s6 =	ssub.s32 $0x0, s21;
	[sflag:s23] =	ssyncset.done $0x0  }
0xa2: {  	[sflag:s23] =	ssyncadd.s32 s6;
	_ =	sdelay $0x1  }
0xa3: {  	s24 =	simm.s32 $0x1B8B  }
0xa4: {  	_ =	swait.ge [sflag:s24], $0x1  }
0xa5: {  	[sflag:s24] =	ssyncset.done $0x0  }
0xa6: {  	s25 =	simm.s32 $0x1B8E;
	[sflag:s24] =	ssyncadd.s32 $0xFFFFFFFF  }
0xa7: {  	s26 =	simm.s32 $execute0_lowered;
	[smem:$0x3FD2] =	sst s25  }
0xa8: {  	s6 =	sshll.u32 s26, $0x1;
	_ =	strace $0x80000046;
	[dreg:$0x1] =	wrdreg $0xFFFFFFFF  }
0xa9: {  	s28 =	simm.s32 $_size_execute0_lowered;
	s5 =	sadd.s32 s5, s6;
	[dreg:$0x0] =	wrdreg $0x0  }
0xaa: {  	s6 =	sshll.u32 s28, $0x1;
	[dreg:$0x2] =	wrdreg s5  }
0xab: {  	[dreg:$0x3] =	wrdreg s6  }
0xac: {  	[dreg:$0x4] =	wrdreg $0xC0  }
0xad: {  	_ =	task [dreg:s9], $0x5FFFF  }
0xae: {  	[dreg:$0x1] =	wrdreg $0xFFFFFFFF  }
0xaf: {  	[dreg:$0x0] =	wrdreg $0x60  }
0xb0: {  	[dreg:$0x2] =	wrdreg s19  }
0xb1: {  	[dreg:$0x3] =	wrdreg s2  }
0xb2: {  	[dreg:$0x4] =	wrdreg s4  }
0xb3: {  	[dreg:$0x5] =	wrdreg $0x9  }
0xb4: {  	_ =	task.clear_ibuf [dreg:s9], $0x6FFFF;
	_ =	strace $0x90000046  }
0xb5: {  	s29 =	simm.s32 $0x9;
	_ =	strace $0x80000048  }
0xb6: {  	_ =	swait.ge [sflag:s29], $0x1  }
0xb7: {  	[sflag:s29] =	ssyncadd.s32 $0xFFFFFFFF  }
0xb8: {  	_ =	strace $0x90000048  }
0xb9: {  	_ =	sfence  }
0xba: {  	s30 =	sld [smem:$0x0];
	_ =	sdelay $0x2  }
0xbb: {  	s31 =	sshll.u32 s1, $0xD;
	s1 =	sshrl.u32 s1, $0x2  }
0xbc: {  	s3 =	sand.u32 $0x4000, s31;
	s1 =	sadd.s32 s1, s30  }
0xbd: {  	s0 =	sor.u32 s3, s0;
	s1 =	sshll.u32 s1, $0x11  }
0xbe: {  	s0 =	sor.u32 s1, s0  }
0xbf: {  	s0 =	sadd.s32 $0x8F2B, s0  }
0xc0: {  	[sflag:s0] =	ssyncadd.remote.s32 $0x1  }
0xc1: {  	_ =	sfence.sel $0xFFFF  }
0xc2: {  	[dreg:$0x0] =	wrdreg $0xFFFFFFFF;
	(pc) =	sbr.abs _section_cstart, $3  }
0xc3: {  	[dreg:$0x1] =	wrdreg $0xFFFFFFFF  }
0xc4: {  	_ =	task.clear_ibuf [dreg:s9], $0x2FFFF;
	_ =	strace $0x9FFFFFFF  }
0xc5: {  	(tm) =	ssettm $0x7FFFFFFF  }
tec
execute0_lowered:
.L_overlay_start_1:
0x0: {  	(tag) =	ssettag $0x1  }
0x1: {  	s0 =	srdreg.scid  }
0x2: {  	s3 =	stileid.u32;
	s0 =	sand.u32 $0x1, s0  }
0x3: {  	s1 =	rddreg [dreg:$0x0];
	s3 =	sshll.u32 s3, $0x7;
	s4 =	sshll.u32 s0, $0x6  }
0x4: {  	s2 =	rddreg [dreg:$0x1];
	s4 =	sor.u32 s4, s3  }
0x5: {  	s5 =	rddreg [dreg:$0x2];
	s3 =	simm.s32 $0x0;
	s6 =	smul.u32 $0x300, s4  }
0x6: {  	[smem:$0x7FF] =	sst s3;
	s2 =	sadd.s32 s2, s4  }
0x7: {  	_ =	strace $0x80000047;
	[dreg:$0x4] =	wrdreg s2;
	s6 =	sadd.s32 s5, s6  }
0x8: {  	s8 =	simm.s32 $0x1;
	s15 =	sadd.s32 $0xC00, s6;
	[dreg:$0x14] =	wrdreg s6  }
0x9: {  	s4 =	smul.u32 $0x1800, s4;
	s16 =	sadd.s32 $0x1800, s6;
	[dreg:$0x5] =	wrdreg s15  }
0xa: {  	s10 =	simm.s32 $0x5;
	s17 =	sadd.s32 $0x2400, s6;
	[dreg:$0x6] =	wrdreg s16  }
0xb: {  	s4 =	sshrl.u32 s4, $0x3;
	s18 =	sadd.s32 $0x3000, s6;
	[dreg:$0x7] =	wrdreg s17  }
0xc: {  	s19 =	sadd.s32 $0x3C00, s6;
	s4 =	sadd.s32 s5, s4;
	[dreg:$0x8] =	wrdreg s18  }
0xd: {  	s11 =	simm.s32 $0x2;
	[dreg:$0x9] =	wrdreg s19;
	s20 =	sadd.s32 $0x4800, s4  }
0xe: {  	s12 =	simm.s32 $0x6;
	s21 =	sadd.s32 $0x5400, s4;
	[dreg:$0xa] =	wrdreg s20  }
0xf: {  	s13 =	simm.s32 $0x3;
	s22 =	sadd.s32 $0x6000, s4;
	[dreg:$0xb] =	wrdreg s21  }
0x10: {  	s14 =	simm.s32 $0x7;
	s23 =	sadd.s32 $0x6C00, s4;
	[dreg:$0xc] =	wrdreg s22  }
0x11: {  	s0 =	ssub.s32 $0x2, s0;
	s24 =	sadd.s32 $0x7800, s4;
	[dreg:$0xd] =	wrdreg s23  }
0x12: {  	s28 =	sshrl.u32 s0, $0x1;
	s25 =	sadd.s32 $0x8400, s4;
	[dreg:$0xe] =	wrdreg s24  }
0x13: {  	s0 =	ssub.s32 s0, s28;
	s26 =	sadd.s32 $0x9000, s4;
	[dreg:$0xf] =	wrdreg s25  }
0x14: {  	s7 =	smax.u32 s0, $0x1;
	s29 =	sadd.s32 $0x9C00, s4;
	[dreg:$0x10] =	wrdreg s26  }
0x15: {  	v2 =	vlaneseq.u32;
	s5 =	sadd.s32 $0x100, s1;
	s30 =	sadd.s32 $0xA800, s4;
	[dreg:$0x11] =	wrdreg s29  }
0x16: {  	vm0 =	vmmov $0xffff;
	v1 =	vshrl.u32 v2, $0x3;
	s6 =	sadd.s32 $0x200, s1;
	s31 =	sadd.s32 $0xB400, s4;
	[dreg:$0x12] =	wrdreg s30  }
0x17: {  	v0 =	vand.u32 $0x7, v2;
	v2 =	vor.u32 $0x8, v2;
	v1 =	vmul.u32 $0x8, v1;
	s15 =	simm.s32 $0x4;
	s16 =	simm.s32 $0x8;
	[dreg:$0x13] =	wrdreg s31  }
.LBB2_1:
0x18: {  	s17 =	rddreg [dreg:$0x4];
	s24 =	simm.s32 $0x9  }
0x19: {  	[tilespmem:s3], [sflag:$0x9] =	stream.linear.gather [hbm4b:s17+s3], $0x200, $0x38;
	[tilespmem:$0x18200] =	vst v63  }
0x1a: {  	_ =	swait.ge [sflag:s24], $0x200  }
0x1b: {  	[sflag:s24] =	ssyncset.done $0x0  }
0x1c: {  	[sflag:s24] =	ssyncadd.s32 $0xFFFFFE00  }
0x1d: {  	v3 =	vld [tilespmem:$0x0];
	_ =	sdelay $0x4  }
0x1e: {  	v4 =	vshrl.u32 v3, $0x3  }
0x1f: {  	v4 =	vmul.u32 $0x30, v4  }
0x20: {  	v3 =	vand.u32 $0x7, v3  }
0x21: {  	v3 =	vor.u32 v3, v4  }
0x22: {  	v4 =	vperm.xlane v3, v0;
	_ =	sdelay $0x1  }
0x23: {  	v4 =	vadd.s32 v1, v4;
	_ =	sdelay $0x3  }
0x24: {  	s0 =	simm.s32 $0x200;
	v3 =	vperm.xlane v3, v2  }
0x25: {  	[tilespmem:s0], [sflag:$0x1] =	stream.indirect_vreg.gather [hbm4b:s1+s3], $0x80, v4, vm0, $0xb8;
	[tilespmem:$0x18200] =	vst v63  }
0x26: {  	s25 =	simm.s32 $0xA00;
	v3 =	vadd.s32 v1, v3  }
0x27: {  	[tilespmem:s25], [sflag:$0x1] =	stream.indirect_vreg.gather [hbm4b:s5+s3], $0x80, v4, vm0, $0xb8;
	[tilespmem:$0x18200] =	vst v63  }
0x28: {  	s26 =	simm.s32 $0x1200  }
0x29: {  	[tilespmem:s26], [sflag:$0x1] =	stream.indirect_vreg.gather [hbm4b:s6+s3], $0x80, v4, vm0, $0xb8;
	[tilespmem:$0x18200] =	vst v63  }
0x2a: {  	s28 =	simm.s32 $0x1A00  }
0x2b: {  	[tilespmem:s28], [sflag:$0x1] =	stream.indirect_vreg.gather [hbm4b:s1+s3], $0x80, v3, vm0, $0xb8;
	[tilespmem:$0x18200] =	vst v63  }
0x2c: {  	s29 =	simm.s32 $0x2200  }
0x2d: {  	[tilespmem:s29], [sflag:$0x1] =	stream.indirect_vreg.gather [hbm4b:s5+s3], $0x80, v3, vm0, $0xb8;
	[tilespmem:$0x18200] =	vst v63  }
0x2e: {  	s30 =	simm.s32 $0x2A00  }
0x2f: {  	[tilespmem:s30], [sflag:$0x1] =	stream.indirect_vreg.gather [hbm4b:s6+s3], $0x80, v3, vm0, $0xb8;
	[tilespmem:$0x18200] =	vst v63  }
0x30: {  	v3 =	vld [tilespmem:$0x10];
	_ =	sdelay $0x4  }
0x31: {  	v33 =	vshrl.u32 v3, $0x3  }
0x32: {  	v4 =	vmul.u32 $0x30, v33  }
0x33: {  	v3 =	vand.u32 $0x7, v3  }
0x34: {  	v3 =	vor.u32 v3, v4  }
0x35: {  	v4 =	vperm.xlane v3, v0;
	_ =	sdelay $0x1  }
0x36: {  	v4 =	vadd.s32 v1, v4;
	_ =	sdelay $0x3  }
0x37: {  	s2 =	simm.s32 $0x3200;
	v3 =	vperm.xlane v3, v2  }
0x38: {  	[tilespmem:s2], [sflag:$0x1] =	stream.indirect_vreg.gather [hbm4b:s1+s3], $0x80, v4, vm0, $0xb8;
	[tilespmem:$0x18200] =	vst v63  }
0x39: {  	s9 =	simm.s32 $0x3A00;
	v3 =	vadd.s32 v1, v3  }
0x3a: {  	[tilespmem:s9], [sflag:$0x1] =	stream.indirect_vreg.gather [hbm4b:s5+s3], $0x80, v4, vm0, $0xb8;
	[tilespmem:$0x18200] =	vst v63  }
0x3b: {  	s17 =	simm.s32 $0x4200  }
0x3c: {  	[tilespmem:s17], [sflag:$0x1] =	stream.indirect_vreg.gather [hbm4b:s6+s3], $0x80, v4, vm0, $0xb8;
	[tilespmem:$0x18200] =	vst v63  }
0x3d: {  	s18 =	simm.s32 $0x4A00  }
0x3e: {  	[tilespmem:s18], [sflag:$0x1] =	stream.indirect_vreg.gather [hbm4b:s1+s3], $0x80, v3, vm0, $0xb8;
	[tilespmem:$0x18200] =	vst v63  }
0x3f: {  	s20 =	simm.s32 $0x5200  }
0x40: {  	[tilespmem:s20], [sflag:$0x1] =	stream.indirect_vreg.gather [hbm4b:s5+s3], $0x80, v3, vm0, $0xb8;
	[tilespmem:$0x18200] =	vst v63  }
0x41: {  	s23 =	simm.s32 $0x5A00  }
0x42: {  	[tilespmem:s23], [sflag:$0x1] =	stream.indirect_vreg.gather [hbm4b:s6+s3], $0x80, v3, vm0, $0xb8;
	[tilespmem:$0x18200] =	vst v63  }
0x43: {  	v3 =	vld [tilespmem:$0x20];
	_ =	sdelay $0x4  }
0x44: {  	v34 =	vshrl.u32 v3, $0x3  }
0x45: {  	v4 =	vmul.u32 $0x30, v34  }
0x46: {  	v3 =	vand.u32 $0x7, v3  }
0x47: {  	v3 =	vor.u32 v3, v4  }
0x48: {  	v4 =	vperm.xlane v3, v0;
	_ =	sdelay $0x1  }
0x49: {  	v4 =	vadd.s32 v1, v4;
	_ =	sdelay $0x3  }
0x4a: {  	s24 =	simm.s32 $0x6200;
	v3 =	vperm.xlane v3, v2  }
0x4b: {  	[tilespmem:s24], [sflag:$0x2] =	stream.indirect_vreg.gather [hbm4b:s1+s3], $0x80, v4, vm0, $0xb8;
	[tilespmem:$0x18200] =	vst v63  }
0x4c: {  	s25 =	simm.s32 $0x6A00;
	v3 =	vadd.s32 v1, v3  }
0x4d: {  	[tilespmem:s25], [sflag:$0x2] =	stream.indirect_vreg.gather [hbm4b:s5+s3], $0x80, v4, vm0, $0xb8;
	[tilespmem:$0x18200] =	vst v63  }
0x4e: {  	s26 =	simm.s32 $0x7200  }
0x4f: {  	[tilespmem:s26], [sflag:$0x2] =	stream.indirect_vreg.gather [hbm4b:s6+s3], $0x80, v4, vm0, $0xb8;
	[tilespmem:$0x18200] =	vst v63  }
0x50: {  	s28 =	simm.s32 $0x7A00  }
0x51: {  	[tilespmem:s28], [sflag:$0x2] =	stream.indirect_vreg.gather [hbm4b:s1+s3], $0x80, v3, vm0, $0xb8;
	[tilespmem:$0x18200] =	vst v63  }
0x52: {  	s30 =	simm.s32 $0x8200  }
0x53: {  	[tilespmem:s30], [sflag:$0x2] =	stream.indirect_vreg.gather [hbm4b:s5+s3], $0x80, v3, vm0, $0xb8;
	[tilespmem:$0x18200] =	vst v63  }
0x54: {  	s2 =	simm.s32 $0x8A00  }
0x55: {  	[tilespmem:s2], [sflag:$0x2] =	stream.indirect_vreg.gather [hbm4b:s6+s3], $0x80, v3, vm0, $0xb8;
	[tilespmem:$0x18200] =	vst v63  }
0x56: {  	v3 =	vld [tilespmem:$0x30];
	_ =	sdelay $0x4  }
0x57: {  	v35 =	vshrl.u32 v3, $0x3  }
0x58: {  	v4 =	vmul.u32 $0x30, v35  }
0x59: {  	v3 =	vand.u32 $0x7, v3  }
0x5a: {  	v3 =	vor.u32 v3, v4  }
0x5b: {  	v4 =	vperm.xlane v3, v0;
	_ =	sdelay $0x1  }
0x5c: {  	v4 =	vadd.s32 v1, v4;
	_ =	sdelay $0x3  }
0x5d: {  	s9 =	simm.s32 $0x9200;
	v3 =	vperm.xlane v3, v2  }
0x5e: {  	[tilespmem:s9], [sflag:$0x2] =	stream.indirect_vreg.gather [hbm4b:s1+s3], $0x80, v4, vm0, $0xb8;
	[tilespmem:$0x18200] =	vst v63  }
0x5f: {  	s17 =	simm.s32 $0x9A00;
	v3 =	vadd.s32 v1, v3  }
0x60: {  	[tilespmem:s17], [sflag:$0x2] =	stream.indirect_vreg.gather [hbm4b:s5+s3], $0x80, v4, vm0, $0xb8;
	[tilespmem:$0x18200] =	vst v63  }
0x61: {  	s18 =	simm.s32 $0xA200  }
0x62: {  	[tilespmem:s18], [sflag:$0x2] =	stream.indirect_vreg.gather [hbm4b:s6+s3], $0x80, v4, vm0, $0xb8;
	[tilespmem:$0x18200] =	vst v63  }
0x63: {  	s20 =	simm.s32 $0xAA00  }
0x64: {  	[tilespmem:s20], [sflag:$0x2] =	stream.indirect_vreg.gather [hbm4b:s1+s3], $0x80, v3, vm0, $0xb8;
	[tilespmem:$0x18200] =	vst v63  }
0x65: {  	s2 =	simm.s32 $0xB200  }
0x66: {  	[tilespmem:s2], [sflag:$0x2] =	stream.indirect_vreg.gather [hbm4b:s5+s3], $0x80, v3, vm0, $0xb8;
	[tilespmem:$0x18200] =	vst v63  }
0x67: {  	s9 =	simm.s32 $0xBA00  }
0x68: {  	[tilespmem:s9], [sflag:$0x2] =	stream.indirect_vreg.gather [hbm4b:s6+s3], $0x80, v3, vm0, $0xb8;
	[tilespmem:$0x18200] =	vst v63  }
0x69: {  	v3 =	vld [tilespmem:$0x40];
	_ =	sdelay $0x4  }
0x6a: {  	v36 =	vshrl.u32 v3, $0x3  }
0x6b: {  	v4 =	vmul.u32 $0x30, v36  }
0x6c: {  	v3 =	vand.u32 $0x7, v3  }
0x6d: {  	v3 =	vor.u32 v3, v4  }
0x6e: {  	v4 =	vperm.xlane v3, v0;
	_ =	sdelay $0x1  }
0x6f: {  	v4 =	vadd.s32 v1, v4;
	_ =	sdelay $0x3  }
0x70: {  	s17 =	simm.s32 $0xC200;
	v3 =	vperm.xlane v3, v2  }
0x71: {  	[tilespmem:s17], [sflag:$0x3] =	stream.indirect_vreg.gather [hbm4b:s1+s3], $0x80, v4, vm0, $0xb8;
	[tilespmem:$0x18200] =	vst v63  }
0x72: {  	s18 =	simm.s32 $0xCA00;
	v3 =	vadd.s32 v1, v3  }
0x73: {  	[tilespmem:s18], [sflag:$0x3] =	stream.indirect_vreg.gather [hbm4b:s5+s3], $0x80, v4, vm0, $0xb8;
	[tilespmem:$0x18200] =	vst v63  }
0x74: {  	s20 =	simm.s32 $0xD200  }
0x75: {  	[tilespmem:s20], [sflag:$0x3] =	stream.indirect_vreg.gather [hbm4b:s6+s3], $0x80, v4, vm0, $0xb8;
	[tilespmem:$0x18200] =	vst v63  }
0x76: {  	s2 =	simm.s32 $0xDA00  }
0x77: {  	[tilespmem:s2], [sflag:$0x3] =	stream.indirect_vreg.gather [hbm4b:s1+s3], $0x80, v3, vm0, $0xb8;
	[tilespmem:$0x18200] =	vst v63  }
0x78: {  	s9 =	simm.s32 $0xE200  }
0x79: {  	[tilespmem:s9], [sflag:$0x3] =	stream.indirect_vreg.gather [hbm4b:s5+s3], $0x80, v3, vm0, $0xb8;
	[tilespmem:$0x18200] =	vst v63  }
0x7a: {  	s17 =	simm.s32 $0xEA00  }
0x7b: {  	[tilespmem:s17], [sflag:$0x3] =	stream.indirect_vreg.gather [hbm4b:s6+s3], $0x80, v3, vm0, $0xb8;
	[tilespmem:$0x18200] =	vst v63  }
0x7c: {  	v3 =	vld [tilespmem:$0x50];
	_ =	sdelay $0x4  }
0x7d: {  	v37 =	vshrl.u32 v3, $0x3  }
0x7e: {  	v4 =	vmul.u32 $0x30, v37  }
0x7f: {  	v3 =	vand.u32 $0x7, v3  }
0x80: {  	v3 =	vor.u32 v3, v4  }
0x81: {  	v4 =	vperm.xlane v3, v0;
	_ =	sdelay $0x1  }
0x82: {  	v4 =	vadd.s32 v1, v4;
	_ =	sdelay $0x3  }
0x83: {  	s18 =	simm.s32 $0xF200;
	v3 =	vperm.xlane v3, v2  }
0x84: {  	[tilespmem:s18], [sflag:$0x3] =	stream.indirect_vreg.gather [hbm4b:s1+s3], $0x80, v4, vm0, $0xb8;
	[tilespmem:$0x18200] =	vst v63  }
0x85: {  	s20 =	simm.s32 $0xFA00;
	v3 =	vadd.s32 v1, v3  }
0x86: {  	[tilespmem:s20], [sflag:$0x3] =	stream.indirect_vreg.gather [hbm4b:s5+s3], $0x80, v4, vm0, $0xb8;
	[tilespmem:$0x18200] =	vst v63  }
0x87: {  	s2 =	simm.s32 $0x10200  }
0x88: {  	[tilespmem:s2], [sflag:$0x3] =	stream.indirect_vreg.gather [hbm4b:s6+s3], $0x80, v4, vm0, $0xb8;
	[tilespmem:$0x18200] =	vst v63  }
0x89: {  	s9 =	simm.s32 $0x10A00  }
0x8a: {  	[tilespmem:s9], [sflag:$0x3] =	stream.indirect_vreg.gather [hbm4b:s1+s3], $0x80, v3, vm0, $0xb8;
	[tilespmem:$0x18200] =	vst v63  }
0x8b: {  	s17 =	simm.s32 $0x11200  }
0x8c: {  	[tilespmem:s17], [sflag:$0x3] =	stream.indirect_vreg.gather [hbm4b:s5+s3], $0x80, v3, vm0, $0xb8;
	[tilespmem:$0x18200] =	vst v63  }
0x8d: {  	s18 =	simm.s32 $0x11A00  }
0x8e: {  	[tilespmem:s18], [sflag:$0x3] =	stream.indirect_vreg.gather [hbm4b:s6+s3], $0x80, v3, vm0, $0xb8;
	[tilespmem:$0x18200] =	vst v63  }
0x8f: {  	v3 =	vld [tilespmem:$0x60];
	_ =	sdelay $0x4  }
0x90: {  	v38 =	vshrl.u32 v3, $0x3  }
0x91: {  	v4 =	vmul.u32 $0x30, v38  }
0x92: {  	v3 =	vand.u32 $0x7, v3  }
0x93: {  	v3 =	vor.u32 v3, v4  }
0x94: {  	v4 =	vperm.xlane v3, v0;
	_ =	sdelay $0x1  }
0x95: {  	v4 =	vadd.s32 v1, v4;
	_ =	sdelay $0x3  }
0x96: {  	s0 =	simm.s32 $0x12200;
	v3 =	vperm.xlane v3, v2  }
0x97: {  	[tilespmem:s0], [sflag:$0x4] =	stream.indirect_vreg.gather [hbm4b:s1+s3], $0x80, v4, vm0, $0xb8;
	[tilespmem:$0x18200] =	vst v63  }
0x98: {  	s20 =	simm.s32 $0x12A00;
	v3 =	vadd.s32 v1, v3  }
0x99: {  	[tilespmem:s20], [sflag:$0x4] =	stream.indirect_vreg.gather [hbm4b:s5+s3], $0x80, v4, vm0, $0xb8;
	[tilespmem:$0x18200] =	vst v63  }
0x9a: {  	s2 =	simm.s32 $0x13200  }
0x9b: {  	[tilespmem:s2], [sflag:$0x4] =	stream.indirect_vreg.gather [hbm4b:s6+s3], $0x80, v4, vm0, $0xb8;
	[tilespmem:$0x18200] =	vst v63  }
0x9c: {  	s9 =	simm.s32 $0x13A00  }
0x9d: {  	[tilespmem:s9], [sflag:$0x4] =	stream.indirect_vreg.gather [hbm4b:s1+s3], $0x80, v3, vm0, $0xb8;
	[tilespmem:$0x18200] =	vst v63  }
0x9e: {  	s18 =	simm.s32 $0x14200  }
0x9f: {  	[tilespmem:s18], [sflag:$0x4] =	stream.indirect_vreg.gather [hbm4b:s5+s3], $0x80, v3, vm0, $0xb8;
	[tilespmem:$0x18200] =	vst v63  }
0xa0: {  	s20 =	simm.s32 $0x14A00  }
0xa1: {  	[tilespmem:s20], [sflag:$0x4] =	stream.indirect_vreg.gather [hbm4b:s6+s3], $0x80, v3, vm0, $0xb8;
	[tilespmem:$0x18200] =	vst v63  }
0xa2: {  	v3 =	vld [tilespmem:$0x70];
	_ =	sdelay $0x4  }
0xa3: {  	v39 =	vshrl.u32 v3, $0x3  }
0xa4: {  	v4 =	vmul.u32 $0x30, v39  }
0xa5: {  	v3 =	vand.u32 $0x7, v3  }
0xa6: {  	v3 =	vor.u32 v3, v4  }
0xa7: {  	v4 =	vperm.xlane v3, v0;
	_ =	sdelay $0x1  }
0xa8: {  	v4 =	vadd.s32 v1, v4;
	_ =	sdelay $0x3  }
0xa9: {  	s2 =	simm.s32 $0x15200;
	v3 =	vperm.xlane v3, v2  }
0xaa: {  	[tilespmem:s2], [sflag:$0x4] =	stream.indirect_vreg.gather [hbm4b:s1+s3], $0x80, v4, vm0, $0xb8;
	[tilespmem:$0x18200] =	vst v63  }
0xab: {  	s9 =	simm.s32 $0x15A00;
	v3 =	vadd.s32 v1, v3  }
0xac: {  	[tilespmem:s9], [sflag:$0x4] =	stream.indirect_vreg.gather [hbm4b:s5+s3], $0x80, v4, vm0, $0xb8;
	[tilespmem:$0x18200] =	vst v63  }
0xad: {  	s18 =	simm.s32 $0x16200  }
0xae: {  	[tilespmem:s18], [sflag:$0x4] =	stream.indirect_vreg.gather [hbm4b:s6+s3], $0x80, v4, vm0, $0xb8;
	[tilespmem:$0x18200] =	vst v63  }
0xaf: {  	s20 =	simm.s32 $0x16A00  }
0xb0: {  	[tilespmem:s20], [sflag:$0x4] =	stream.indirect_vreg.gather [hbm4b:s1+s3], $0x80, v3, vm0, $0xb8;
	[tilespmem:$0x18200] =	vst v63  }
0xb1: {  	s2 =	simm.s32 $0x17200  }
0xb2: {  	[tilespmem:s2], [sflag:$0x4] =	stream.indirect_vreg.gather [hbm4b:s5+s3], $0x80, v3, vm0, $0xb8;
	[tilespmem:$0x18200] =	vst v63  }
0xb3: {  	s9 =	simm.s32 $0x17A00  }
0xb4: {  	[tilespmem:s9], [sflag:$0x4] =	stream.indirect_vreg.gather [hbm4b:s6+s3], $0x80, v3, vm0, $0xb8;
	[tilespmem:$0x18200] =	vst v63  }
0xb5: {  	_ =	swait.ge [sflag:s8], $0x6000  }
0xb6: {  	[sflag:s8] =	ssyncset.done $0x0  }
0xb7: {  	s20 =	simm.s32 $0x200;
	s18 =	rddreg [dreg:$0x14];
	[sflag:s8] =	ssyncadd.s32 $0xFFFFA000  }
0xb8: {  	[hbm4b:s18+s3] =	stream.linear.scatter [tilespmem:s20], [sflag:$0x5], $0x6000, $0x38;
	[tilespmem:$0x18200] =	vst v63  }
0xb9: {  	_ =	swait.ge [sflag:s10], $0x6000  }
0xba: {  	[sflag:s10] =	ssyncset.done $0x0  }
0xbb: {  	[sflag:s10] =	ssyncadd.s32 $0xFFFFA000  }
0xbc: {  	v3 =	vld [tilespmem:$0x80];
	_ =	sdelay $0x4  }
0xbd: {  	v40 =	vshrl.u32 v3, $0x3  }
0xbe: {  	v4 =	vmul.u32 $0x30, v40  }
0xbf: {  	v3 =	vand.u32 $0x7, v3  }
0xc0: {  	v3 =	vor.u32 v3, v4  }
0xc1: {  	v4 =	vperm.xlane v3, v0;
	_ =	sdelay $0x1  }
0xc2: {  	v4 =	vadd.s32 v1, v4;
	_ =	sdelay $0x3  }
0xc3: {  	v3 =	vperm.xlane v3, v2  }
0xc4: {  	[tilespmem:s20], [sflag:$0x1] =	stream.indirect_vreg.gather [hbm4b:s1+s3], $0x80, v4, vm0, $0xb8;
	[tilespmem:$0x18200] =	vst v63  }
0xc5: {  	s19 =	simm.s32 $0xA00;
	v3 =	vadd.s32 v1, v3  }
0xc6: {  	[tilespmem:s19], [sflag:$0x1] =	stream.indirect_vreg.gather [hbm4b:s5+s3], $0x80, v4, vm0, $0xb8;
	[tilespmem:$0x18200] =	vst v63  }
0xc7: {  	s31 =	simm.s32 $0x1200  }
0xc8: {  	[tilespmem:s31], [sflag:$0x1] =	stream.indirect_vreg.gather [hbm4b:s6+s3], $0x80, v4, vm0, $0xb8;
	[tilespmem:$0x18200] =	vst v63  }
0xc9: {  	s4 =	simm.s32 $0x1A00  }
0xca: {  	[tilespmem:s4], [sflag:$0x1] =	stream.indirect_vreg.gather [hbm4b:s1+s3], $0x80, v3, vm0, $0xb8;
	[tilespmem:$0x18200] =	vst v63  }
0xcb: {  	s29 =	simm.s32 $0x2200  }
0xcc: {  	[tilespmem:s29], [sflag:$0x1] =	stream.indirect_vreg.gather [hbm4b:s5+s3], $0x80, v3, vm0, $0xb8;
	[tilespmem:$0x18200] =	vst v63  }
0xcd: {  	s19 =	simm.s32 $0x2A00  }
0xce: {  	[tilespmem:s19], [sflag:$0x1] =	stream.indirect_vreg.gather [hbm4b:s6+s3], $0x80, v3, vm0, $0xb8;
	[tilespmem:$0x18200] =	vst v63  }
0xcf: {  	v3 =	vld [tilespmem:$0x90];
	_ =	sdelay $0x4  }
0xd0: {  	v41 =	vshrl.u32 v3, $0x3  }
0xd1: {  	v4 =	vmul.u32 $0x30, v41  }
0xd2: {  	v3 =	vand.u32 $0x7, v3  }
0xd3: {  	v3 =	vor.u32 v3, v4  }
0xd4: {  	v4 =	vperm.xlane v3, v0;
	_ =	sdelay $0x1  }
0xd5: {  	v4 =	vadd.s32 v1, v4;
	_ =	sdelay $0x3  }
0xd6: {  	s29 =	simm.s32 $0x3200;
	v3 =	vperm.xlane v3, v2  }
0xd7: {  	[tilespmem:s29], [sflag:$0x1] =	stream.indirect_vreg.gather [hbm4b:s1+s3], $0x80, v4, vm0, $0xb8;
	[tilespmem:$0x18200] =	vst v63  }
0xd8: {  	s21 =	simm.s32 $0x3A00;
	v3 =	vadd.s32 v1, v3  }
0xd9: {  	[tilespmem:s21], [sflag:$0x1] =	stream.indirect_vreg.gather [hbm4b:s5+s3], $0x80, v4, vm0, $0xb8;
	[tilespmem:$0x18200] =	vst v63  }
0xda: {  	s22 =	simm.s32 $0x4200  }
0xdb: {  	[tilespmem:s22], [sflag:$0x1] =	stream.indirect_vreg.gather [hbm4b:s6+s3], $0x80, v4, vm0, $0xb8;
	[tilespmem:$0x18200] =	vst v63  }
0xdc: {  	s18 =	simm.s32 $0x4A00  }
0xdd: {  	[tilespmem:s18], [sflag:$0x1] =	stream.indirect_vreg.gather [hbm4b:s1+s3], $0x80, v3, vm0, $0xb8;
	[tilespmem:$0x18200] =	vst v63  }
0xde: {  	s20 =	simm.s32 $0x5200  }
0xdf: {  	[tilespmem:s20], [sflag:$0x1] =	stream.indirect_vreg.gather [hbm4b:s5+s3], $0x80, v3, vm0, $0xb8;
	[tilespmem:$0x18200] =	vst v63  }
0xe0: {  	s31 =	simm.s32 $0x5A00  }
0xe1: {  	[tilespmem:s31], [sflag:$0x1] =	stream.indirect_vreg.gather [hbm4b:s6+s3], $0x80, v3, vm0, $0xb8;
	[tilespmem:$0x18200] =	vst v63  }
0xe2: {  	_ =	swait.ge [sflag:s11], $0x6000  }
0xe3: {  	[sflag:s11] =	ssyncset.done $0x0  }
0xe4: {  	s9 =	simm.s32 $0x6200;
	s4 =	rddreg [dreg:$0x5];
	[sflag:s11] =	ssyncadd.s32 $0xFFFFA000  }
0xe5: {  	[hbm4b:s4+s3] =	stream.linear.scatter [tilespmem:s9], [sflag:$0x6], $0x6000, $0x38;
	[tilespmem:$0x18200] =	vst v63  }
0xe6: {  	_ =	swait.ge [sflag:s12], $0x6000  }
0xe7: {  	[sflag:s12] =	ssyncset.done $0x0  }
0xe8: {  	[sflag:s12] =	ssyncadd.s32 $0xFFFFA000  }
0xe9: {  	v3 =	vld [tilespmem:$0xA0];
	_ =	sdelay $0x4  }
0xea: {  	v42 =	vshrl.u32 v3, $0x3  }
0xeb: {  	v4 =	vmul.u32 $0x30, v42  }
0xec: {  	v3 =	vand.u32 $0x7, v3  }
0xed: {  	v3 =	vor.u32 v3, v4  }
0xee: {  	v4 =	vperm.xlane v3, v0;
	_ =	sdelay $0x1  }
0xef: {  	v4 =	vadd.s32 v1, v4;
	_ =	sdelay $0x3  }
0xf0: {  	v3 =	vperm.xlane v3, v2  }
0xf1: {  	[tilespmem:s9], [sflag:$0x2] =	stream.indirect_vreg.gather [hbm4b:s1+s3], $0x80, v4, vm0, $0xb8;
	[tilespmem:$0x18200] =	vst v63  }
0xf2: {  	s24 =	simm.s32 $0x6A00;
	v3 =	vadd.s32 v1, v3  }
0xf3: {  	[tilespmem:s24], [sflag:$0x2] =	stream.indirect_vreg.gather [hbm4b:s5+s3], $0x80, v4, vm0, $0xb8;
	[tilespmem:$0x18200] =	vst v63  }
0xf4: {  	s25 =	simm.s32 $0x7200  }
0xf5: {  	[tilespmem:s25], [sflag:$0x2] =	stream.indirect_vreg.gather [hbm4b:s6+s3], $0x80, v4, vm0, $0xb8;
	[tilespmem:$0x18200] =	vst v63  }
0xf6: {  	s21 =	simm.s32 $0x7A00  }
0xf7: {  	[tilespmem:s21], [sflag:$0x2] =	stream.indirect_vreg.gather [hbm4b:s1+s3], $0x80, v3, vm0, $0xb8;
	[tilespmem:$0x18200] =	vst v63  }
0xf8: {  	s26 =	simm.s32 $0x8200  }
0xf9: {  	[tilespmem:s26], [sflag:$0x2] =	stream.indirect_vreg.gather [hbm4b:s5+s3], $0x80, v3, vm0, $0xb8;
	[tilespmem:$0x18200] =	vst v63  }
0xfa: {  	s23 =	simm.s32 $0x8A00  }
0xfb: {  	[tilespmem:s23], [sflag:$0x2] =	stream.indirect_vreg.gather [hbm4b:s6+s3], $0x80, v3, vm0, $0xb8;
	[tilespmem:$0x18200] =	vst v63  }
0xfc: {  	v3 =	vld [tilespmem:$0xB0];
	_ =	sdelay $0x4  }
0xfd: {  	v43 =	vshrl.u32 v3, $0x3  }
0xfe: {  	v4 =	vmul.u32 $0x30, v43  }
0xff: {  	v3 =	vand.u32 $0x7, v3  }
0x100: {  	v3 =	vor.u32 v3, v4  }
0x101: {  	v4 =	vperm.xlane v3, v0;
	_ =	sdelay $0x1  }
0x102: {  	v4 =	vadd.s32 v1, v4;
	_ =	sdelay $0x3  }
0x103: {  	s30 =	simm.s32 $0x9200;
	v3 =	vperm.xlane v3, v2  }
0x104: {  	[tilespmem:s30], [sflag:$0x2] =	stream.indirect_vreg.gather [hbm4b:s1+s3], $0x80, v4, vm0, $0xb8;
	[tilespmem:$0x18200] =	vst v63  }
0x105: {  	s28 =	simm.s32 $0x9A00;
	v3 =	vadd.s32 v1, v3  }
0x106: {  	[tilespmem:s28], [sflag:$0x2] =	stream.indirect_vreg.gather [hbm4b:s5+s3], $0x80, v4, vm0, $0xb8;
	[tilespmem:$0x18200] =	vst v63  }
0x107: {  	s30 =	simm.s32 $0xA200  }
0x108: {  	[tilespmem:s30], [sflag:$0x2] =	stream.indirect_vreg.gather [hbm4b:s6+s3], $0x80, v4, vm0, $0xb8;
	[tilespmem:$0x18200] =	vst v63  }
0x109: {  	s31 =	simm.s32 $0xAA00  }
0x10a: {  	[tilespmem:s31], [sflag:$0x2] =	stream.indirect_vreg.gather [hbm4b:s1+s3], $0x80, v3, vm0, $0xb8;
	[tilespmem:$0x18200] =	vst v63  }
0x10b: {  	s22 =	simm.s32 $0xB200  }
0x10c: {  	[tilespmem:s22], [sflag:$0x2] =	stream.indirect_vreg.gather [hbm4b:s5+s3], $0x80, v3, vm0, $0xb8;
	[tilespmem:$0x18200] =	vst v63  }
0x10d: {  	s23 =	simm.s32 $0xBA00  }
0x10e: {  	[tilespmem:s23], [sflag:$0x2] =	stream.indirect_vreg.gather [hbm4b:s6+s3], $0x80, v3, vm0, $0xb8;
	[tilespmem:$0x18200] =	vst v63  }
0x10f: {  	_ =	swait.ge [sflag:s13], $0x6000  }
0x110: {  	[sflag:s13] =	ssyncset.done $0x0  }
0x111: {  	s25 =	simm.s32 $0xC200;
	s24 =	rddreg [dreg:$0x6];
	[sflag:s13] =	ssyncadd.s32 $0xFFFFA000  }
0x112: {  	[hbm4b:s24+s3] =	stream.linear.scatter [tilespmem:s25], [sflag:$0x7], $0x6000, $0x38;
	[tilespmem:$0x18200] =	vst v63  }
0x113: {  	_ =	swait.ge [sflag:s14], $0x6000  }
0x114: {  	[sflag:s14] =	ssyncset.done $0x0  }
0x115: {  	[sflag:s14] =	ssyncadd.s32 $0xFFFFA000  }
0x116: {  	v3 =	vld [tilespmem:$0xC0];
	_ =	sdelay $0x4  }
0x117: {  	v44 =	vshrl.u32 v3, $0x3  }
0x118: {  	v4 =	vmul.u32 $0x30, v44  }
0x119: {  	v3 =	vand.u32 $0x7, v3  }
0x11a: {  	v3 =	vor.u32 v3, v4  }
0x11b: {  	v4 =	vperm.xlane v3, v0;
	_ =	sdelay $0x1  }
0x11c: {  	v4 =	vadd.s32 v1, v4;
	_ =	sdelay $0x3  }
0x11d: {  	v3 =	vperm.xlane v3, v2  }
0x11e: {  	[tilespmem:s25], [sflag:$0x3] =	stream.indirect_vreg.gather [hbm4b:s1+s3], $0x80, v4, vm0, $0xb8;
	[tilespmem:$0x18200] =	vst v63  }
0x11f: {  	s29 =	simm.s32 $0xCA00;
	v3 =	vadd.s32 v1, v3  }
0x120: {  	[tilespmem:s29], [sflag:$0x3] =	stream.indirect_vreg.gather [hbm4b:s5+s3], $0x80, v4, vm0, $0xb8;
	[tilespmem:$0x18200] =	vst v63  }
0x121: {  	s21 =	simm.s32 $0xD200  }
0x122: {  	[tilespmem:s21], [sflag:$0x3] =	stream.indirect_vreg.gather [hbm4b:s6+s3], $0x80, v4, vm0, $0xb8;
	[tilespmem:$0x18200] =	vst v63  }
0x123: {  	s22 =	simm.s32 $0xDA00  }
0x124: {  	[tilespmem:s22], [sflag:$0x3] =	stream.indirect_vreg.gather [hbm4b:s1+s3], $0x80, v3, vm0, $0xb8;
	[tilespmem:$0x18200] =	vst v63  }
0x125: {  	s23 =	simm.s32 $0xE200  }
0x126: {  	[tilespmem:s23], [sflag:$0x3] =	stream.indirect_vreg.gather [hbm4b:s5+s3], $0x80, v3, vm0, $0xb8;
	[tilespmem:$0x18200] =	vst v63  }
0x127: {  	s26 =	simm.s32 $0xEA00  }
0x128: {  	[tilespmem:s26], [sflag:$0x3] =	stream.indirect_vreg.gather [hbm4b:s6+s3], $0x80, v3, vm0, $0xb8;
	[tilespmem:$0x18200] =	vst v63  }
0x129: {  	v3 =	vld [tilespmem:$0xD0];
	_ =	sdelay $0x4  }
0x12a: {  	v45 =	vshrl.u32 v3, $0x3  }
0x12b: {  	v4 =	vmul.u32 $0x30, v45  }
0x12c: {  	v3 =	vand.u32 $0x7, v3  }
0x12d: {  	v3 =	vor.u32 v3, v4  }
0x12e: {  	v4 =	vperm.xlane v3, v0;
	_ =	sdelay $0x1  }
0x12f: {  	v4 =	vadd.s32 v1, v4;
	_ =	sdelay $0x3  }
0x130: {  	s28 =	simm.s32 $0xF200;
	v3 =	vperm.xlane v3, v2  }
0x131: {  	[tilespmem:s28], [sflag:$0x3] =	stream.indirect_vreg.gather [hbm4b:s1+s3], $0x80, v4, vm0, $0xb8;
	[tilespmem:$0x18200] =	vst v63  }
0x132: {  	s24 =	simm.s32 $0xFA00;
	v3 =	vadd.s32 v1, v3  }
0x133: {  	[tilespmem:s24], [sflag:$0x3] =	stream.indirect_vreg.gather [hbm4b:s5+s3], $0x80, v4, vm0, $0xb8;
	[tilespmem:$0x18200] =	vst v63  }
0x134: {  	s25 =	simm.s32 $0x10200  }
0x135: {  	[tilespmem:s25], [sflag:$0x3] =	stream.indirect_vreg.gather [hbm4b:s6+s3], $0x80, v4, vm0, $0xb8;
	[tilespmem:$0x18200] =	vst v63  }
0x136: {  	s26 =	simm.s32 $0x10A00  }
0x137: {  	[tilespmem:s26], [sflag:$0x3] =	stream.indirect_vreg.gather [hbm4b:s1+s3], $0x80, v3, vm0, $0xb8;
	[tilespmem:$0x18200] =	vst v63  }
0x138: {  	s28 =	simm.s32 $0x11200  }
0x139: {  	[tilespmem:s28], [sflag:$0x3] =	stream.indirect_vreg.gather [hbm4b:s5+s3], $0x80, v3, vm0, $0xb8;
	[tilespmem:$0x18200] =	vst v63  }
0x13a: {  	s17 =	simm.s32 $0x11A00  }
0x13b: {  	[tilespmem:s17], [sflag:$0x3] =	stream.indirect_vreg.gather [hbm4b:s6+s3], $0x80, v3, vm0, $0xb8;
	[tilespmem:$0x18200] =	vst v63  }
0x13c: {  	_ =	swait.ge [sflag:s15], $0x6000  }
0x13d: {  	[sflag:s15] =	ssyncset.done $0x0  }
0x13e: {  	s17 =	rddreg [dreg:$0x7];
	[sflag:s15] =	ssyncadd.s32 $0xFFFFA000  }
0x13f: {  	[hbm4b:s17+s3] =	stream.linear.scatter [tilespmem:s0], [sflag:$0x8], $0x6000, $0x38;
	[tilespmem:$0x18200] =	vst v63  }
0x140: {  	_ =	swait.ge [sflag:s16], $0x6000  }
0x141: {  	[sflag:s16] =	ssyncset.done $0x0  }
0x142: {  	[sflag:s16] =	ssyncadd.s32 $0xFFFFA000  }
0x143: {  	v3 =	vld [tilespmem:$0xE0];
	_ =	sdelay $0x4  }
0x144: {  	v46 =	vshrl.u32 v3, $0x3  }
0x145: {  	v4 =	vmul.u32 $0x30, v46  }
0x146: {  	v3 =	vand.u32 $0x7, v3  }
0x147: {  	v3 =	vor.u32 v3, v4  }
0x148: {  	v4 =	vperm.xlane v3, v0;
	_ =	sdelay $0x1  }
0x149: {  	v4 =	vadd.s32 v1, v4;
	_ =	sdelay $0x3  }
0x14a: {  	v3 =	vperm.xlane v3, v2  }
0x14b: {  	[tilespmem:s0], [sflag:$0x4] =	stream.indirect_vreg.gather [hbm4b:s1+s3], $0x80, v4, vm0, $0xb8;
	[tilespmem:$0x18200] =	vst v63  }
0x14c: {  	s17 =	simm.s32 $0x12A00;
	v3 =	vadd.s32 v1, v3  }
0x14d: {  	[tilespmem:s17], [sflag:$0x4] =	stream.indirect_vreg.gather [hbm4b:s5+s3], $0x80, v4, vm0, $0xb8;
	[tilespmem:$0x18200] =	vst v63  }
0x14e: {  	s17 =	simm.s32 $0x13200  }
0x14f: {  	[tilespmem:s17], [sflag:$0x4] =	stream.indirect_vreg.gather [hbm4b:s6+s3], $0x80, v4, vm0, $0xb8;
	[tilespmem:$0x18200] =	vst v63  }
0x150: {  	s17 =	simm.s32 $0x13A00  }
0x151: {  	[tilespmem:s17], [sflag:$0x4] =	stream.indirect_vreg.gather [hbm4b:s1+s3], $0x80, v3, vm0, $0xb8;
	[tilespmem:$0x18200] =	vst v63  }
0x152: {  	s17 =	simm.s32 $0x14200  }
0x153: {  	[tilespmem:s17], [sflag:$0x4] =	stream.indirect_vreg.gather [hbm4b:s5+s3], $0x80, v3, vm0, $0xb8;
	[tilespmem:$0x18200] =	vst v63  }
0x154: {  	s17 =	simm.s32 $0x14A00  }
0x155: {  	[tilespmem:s17], [sflag:$0x4] =	stream.indirect_vreg.gather [hbm4b:s6+s3], $0x80, v3, vm0, $0xb8;
	[tilespmem:$0x18200] =	vst v63  }
0x156: {  	v3 =	vld [tilespmem:$0xF0];
	_ =	sdelay $0x4  }
0x157: {  	v47 =	vshrl.u32 v3, $0x3  }
0x158: {  	v4 =	vmul.u32 $0x30, v47  }
0x159: {  	v3 =	vand.u32 $0x7, v3  }
0x15a: {  	v3 =	vor.u32 v3, v4  }
0x15b: {  	v4 =	vperm.xlane v3, v0;
	_ =	sdelay $0x1  }
0x15c: {  	v4 =	vadd.s32 v1, v4;
	_ =	sdelay $0x3  }
0x15d: {  	s17 =	simm.s32 $0x15200;
	v3 =	vperm.xlane v3, v2  }
0x15e: {  	[tilespmem:s17], [sflag:$0x4] =	stream.indirect_vreg.gather [hbm4b:s1+s3], $0x80, v4, vm0, $0xb8;
	[tilespmem:$0x18200] =	vst v63  }
0x15f: {  	v3 =	vadd.s32 v1, v3;
	s17 =	simm.s32 $0x15A00  }
0x160: {  	[tilespmem:s17], [sflag:$0x4] =	stream.indirect_vreg.gather [hbm4b:s5+s3], $0x80, v4, vm0, $0xb8;
	[tilespmem:$0x18200] =	vst v63  }
0x161: {  	s17 =	simm.s32 $0x16200  }
0x162: {  	[tilespmem:s17], [sflag:$0x4] =	stream.indirect_vreg.gather [hbm4b:s6+s3], $0x80, v4, vm0, $0xb8;
	[tilespmem:$0x18200] =	vst v63  }
0x163: {  	s17 =	simm.s32 $0x16A00  }
0x164: {  	[tilespmem:s17], [sflag:$0x4] =	stream.indirect_vreg.gather [hbm4b:s1+s3], $0x80, v3, vm0, $0xb8;
	[tilespmem:$0x18200] =	vst v63  }
0x165: {  	s17 =	simm.s32 $0x17200  }
0x166: {  	[tilespmem:s17], [sflag:$0x4] =	stream.indirect_vreg.gather [hbm4b:s5+s3], $0x80, v3, vm0, $0xb8;
	[tilespmem:$0x18200] =	vst v63  }
0x167: {  	s17 =	simm.s32 $0x17A00  }
0x168: {  	[tilespmem:s17], [sflag:$0x4] =	stream.indirect_vreg.gather [hbm4b:s6+s3], $0x80, v3, vm0, $0xb8;
	[tilespmem:$0x18200] =	vst v63  }
0x169: {  	_ =	swait.ge [sflag:s8], $0x6000  }
0x16a: {  	[sflag:s8] =	ssyncset.done $0x0  }
0x16b: {  	s2 =	simm.s32 $0x200;
	s17 =	rddreg [dreg:$0x8];
	[sflag:s8] =	ssyncadd.s32 $0xFFFFA000  }
0x16c: {  	[hbm4b:s17+s3] =	stream.linear.scatter [tilespmem:s2], [sflag:$0x5], $0x6000, $0x38;
	[tilespmem:$0x18200] =	vst v63  }
0x16d: {  	_ =	swait.ge [sflag:s10], $0x6000  }
0x16e: {  	[sflag:s10] =	ssyncset.done $0x0  }
0x16f: {  	[sflag:s10] =	ssyncadd.s32 $0xFFFFA000  }
0x170: {  	v3 =	vld [tilespmem:$0x100];
	_ =	sdelay $0x4  }
0x171: {  	v48 =	vshrl.u32 v3, $0x3  }
0x172: {  	v4 =	vmul.u32 $0x30, v48  }
0x173: {  	v3 =	vand.u32 $0x7, v3  }
0x174: {  	v3 =	vor.u32 v3, v4  }
0x175: {  	v4 =	vperm.xlane v3, v0;
	_ =	sdelay $0x1  }
0x176: {  	v4 =	vadd.s32 v1, v4;
	_ =	sdelay $0x3  }
0x177: {  	v3 =	vperm.xlane v3, v2  }
0x178: {  	[tilespmem:s2], [sflag:$0x1] =	stream.indirect_vreg.gather [hbm4b:s1+s3], $0x80, v4, vm0, $0xb8;
	[tilespmem:$0x18200] =	vst v63  }
0x179: {  	s17 =	simm.s32 $0xA00;
	v3 =	vadd.s32 v1, v3  }
0x17a: {  	[tilespmem:s17], [sflag:$0x1] =	stream.indirect_vreg.gather [hbm4b:s5+s3], $0x80, v4, vm0, $0xb8;
	[tilespmem:$0x18200] =	vst v63  }
0x17b: {  	s17 =	simm.s32 $0x1200  }
0x17c: {  	[tilespmem:s17], [sflag:$0x1] =	stream.indirect_vreg.gather [hbm4b:s6+s3], $0x80, v4, vm0, $0xb8;
	[tilespmem:$0x18200] =	vst v63  }
0x17d: {  	s17 =	simm.s32 $0x1A00  }
0x17e: {  	[tilespmem:s17], [sflag:$0x1] =	stream.indirect_vreg.gather [hbm4b:s1+s3], $0x80, v3, vm0, $0xb8;
	[tilespmem:$0x18200] =	vst v63  }
0x17f: {  	s17 =	simm.s32 $0x2200  }
0x180: {  	[tilespmem:s17], [sflag:$0x1] =	stream.indirect_vreg.gather [hbm4b:s5+s3], $0x80, v3, vm0, $0xb8;
	[tilespmem:$0x18200] =	vst v63  }
0x181: {  	_ = 	snop  }
0x182: {  	[tilespmem:s19], [sflag:$0x1] =	stream.indirect_vreg.gather [hbm4b:s6+s3], $0x80, v3, vm0, $0xb8;
	[tilespmem:$0x18200] =	vst v63  }
0x183: {  	v3 =	vld [tilespmem:$0x110];
	_ =	sdelay $0x4  }
0x184: {  	v49 =	vshrl.u32 v3, $0x3  }
0x185: {  	v4 =	vmul.u32 $0x30, v49  }
0x186: {  	v3 =	vand.u32 $0x7, v3  }
0x187: {  	v3 =	vor.u32 v3, v4  }
0x188: {  	v4 =	vperm.xlane v3, v0;
	_ =	sdelay $0x1  }
0x189: {  	v4 =	vadd.s32 v1, v4;
	_ =	sdelay $0x3  }
0x18a: {  	s19 =	simm.s32 $0x3200;
	v3 =	vperm.xlane v3, v2  }
0x18b: {  	[tilespmem:s19], [sflag:$0x1] =	stream.indirect_vreg.gather [hbm4b:s1+s3], $0x80, v4, vm0, $0xb8;
	[tilespmem:$0x18200] =	vst v63  }
0x18c: {  	s17 =	simm.s32 $0x3A00;
	v3 =	vadd.s32 v1, v3  }
0x18d: {  	[tilespmem:s17], [sflag:$0x1] =	stream.indirect_vreg.gather [hbm4b:s5+s3], $0x80, v4, vm0, $0xb8;
	[tilespmem:$0x18200] =	vst v63  }
0x18e: {  	s19 =	simm.s32 $0x4200  }
0x18f: {  	[tilespmem:s19], [sflag:$0x1] =	stream.indirect_vreg.gather [hbm4b:s6+s3], $0x80, v4, vm0, $0xb8;
	[tilespmem:$0x18200] =	vst v63  }
0x190: {  	_ = 	snop  }
0x191: {  	[tilespmem:s18], [sflag:$0x1] =	stream.indirect_vreg.gather [hbm4b:s1+s3], $0x80, v3, vm0, $0xb8;
	[tilespmem:$0x18200] =	vst v63  }
0x192: {  	_ = 	snop  }
0x193: {  	[tilespmem:s20], [sflag:$0x1] =	stream.indirect_vreg.gather [hbm4b:s5+s3], $0x80, v3, vm0, $0xb8;
	[tilespmem:$0x18200] =	vst v63  }
0x194: {  	s17 =	simm.s32 $0x5A00  }
0x195: {  	[tilespmem:s17], [sflag:$0x1] =	stream.indirect_vreg.gather [hbm4b:s6+s3], $0x80, v3, vm0, $0xb8;
	[tilespmem:$0x18200] =	vst v63  }
0x196: {  	_ =	swait.ge [sflag:s11], $0x6000  }
0x197: {  	[sflag:s11] =	ssyncset.done $0x0  }
0x198: {  	s9 =	simm.s32 $0x6200;
	s18 =	rddreg [dreg:$0x9];
	[sflag:s11] =	ssyncadd.s32 $0xFFFFA000  }
0x199: {  	[hbm4b:s18+s3] =	stream.linear.scatter [tilespmem:s9], [sflag:$0x6], $0x6000, $0x38;
	[tilespmem:$0x18200] =	vst v63  }
0x19a: {  	_ =	swait.ge [sflag:s12], $0x6000  }
0x19b: {  	[sflag:s12] =	ssyncset.done $0x0  }
0x19c: {  	[sflag:s12] =	ssyncadd.s32 $0xFFFFA000  }
0x19d: {  	v3 =	vld [tilespmem:$0x120];
	_ =	sdelay $0x4  }
0x19e: {  	v50 =	vshrl.u32 v3, $0x3  }
0x19f: {  	v4 =	vmul.u32 $0x30, v50  }
0x1a0: {  	v3 =	vand.u32 $0x7, v3  }
0x1a1: {  	v3 =	vor.u32 v3, v4  }
0x1a2: {  	v4 =	vperm.xlane v3, v0;
	_ =	sdelay $0x1  }
0x1a3: {  	v4 =	vadd.s32 v1, v4;
	_ =	sdelay $0x3  }
0x1a4: {  	v3 =	vperm.xlane v3, v2  }
0x1a5: {  	[tilespmem:s9], [sflag:$0x2] =	stream.indirect_vreg.gather [hbm4b:s1+s3], $0x80, v4, vm0, $0xb8;
	[tilespmem:$0x18200] =	vst v63  }
0x1a6: {  	s19 =	simm.s32 $0x6A00;
	v3 =	vadd.s32 v1, v3  }
0x1a7: {  	[tilespmem:s19], [sflag:$0x2] =	stream.indirect_vreg.gather [hbm4b:s5+s3], $0x80, v4, vm0, $0xb8;
	[tilespmem:$0x18200] =	vst v63  }
0x1a8: {  	s9 =	simm.s32 $0x7200  }
0x1a9: {  	[tilespmem:s9], [sflag:$0x2] =	stream.indirect_vreg.gather [hbm4b:s6+s3], $0x80, v4, vm0, $0xb8;
	[tilespmem:$0x18200] =	vst v63  }
0x1aa: {  	s17 =	simm.s32 $0x7A00  }
0x1ab: {  	[tilespmem:s17], [sflag:$0x2] =	stream.indirect_vreg.gather [hbm4b:s1+s3], $0x80, v3, vm0, $0xb8;
	[tilespmem:$0x18200] =	vst v63  }
0x1ac: {  	s18 =	simm.s32 $0x8200  }
0x1ad: {  	[tilespmem:s18], [sflag:$0x2] =	stream.indirect_vreg.gather [hbm4b:s5+s3], $0x80, v3, vm0, $0xb8;
	[tilespmem:$0x18200] =	vst v63  }
0x1ae: {  	s19 =	simm.s32 $0x8A00  }
0x1af: {  	[tilespmem:s19], [sflag:$0x2] =	stream.indirect_vreg.gather [hbm4b:s6+s3], $0x80, v3, vm0, $0xb8;
	[tilespmem:$0x18200] =	vst v63  }
0x1b0: {  	v3 =	vld [tilespmem:$0x130];
	_ =	sdelay $0x4  }
0x1b1: {  	v51 =	vshrl.u32 v3, $0x3  }
0x1b2: {  	v4 =	vmul.u32 $0x30, v51  }
0x1b3: {  	v3 =	vand.u32 $0x7, v3  }
0x1b4: {  	v3 =	vor.u32 v3, v4  }
0x1b5: {  	v4 =	vperm.xlane v3, v0;
	_ =	sdelay $0x1  }
0x1b6: {  	v4 =	vadd.s32 v1, v4;
	_ =	sdelay $0x3  }
0x1b7: {  	s9 =	simm.s32 $0x9200;
	v3 =	vperm.xlane v3, v2  }
0x1b8: {  	[tilespmem:s9], [sflag:$0x2] =	stream.indirect_vreg.gather [hbm4b:s1+s3], $0x80, v4, vm0, $0xb8;
	[tilespmem:$0x18200] =	vst v63  }
0x1b9: {  	s17 =	simm.s32 $0x9A00;
	v3 =	vadd.s32 v1, v3  }
0x1ba: {  	[tilespmem:s17], [sflag:$0x2] =	stream.indirect_vreg.gather [hbm4b:s5+s3], $0x80, v4, vm0, $0xb8;
	[tilespmem:$0x18200] =	vst v63  }
0x1bb: {  	_ = 	snop  }
0x1bc: {  	[tilespmem:s30], [sflag:$0x2] =	stream.indirect_vreg.gather [hbm4b:s6+s3], $0x80, v4, vm0, $0xb8;
	[tilespmem:$0x18200] =	vst v63  }
0x1bd: {  	_ = 	snop  }
0x1be: {  	[tilespmem:s31], [sflag:$0x2] =	stream.indirect_vreg.gather [hbm4b:s1+s3], $0x80, v3, vm0, $0xb8;
	[tilespmem:$0x18200] =	vst v63  }
0x1bf: {  	s18 =	simm.s32 $0xB200  }
0x1c0: {  	[tilespmem:s18], [sflag:$0x2] =	stream.indirect_vreg.gather [hbm4b:s5+s3], $0x80, v3, vm0, $0xb8;
	[tilespmem:$0x18200] =	vst v63  }
0x1c1: {  	s19 =	simm.s32 $0xBA00  }
0x1c2: {  	[tilespmem:s19], [sflag:$0x2] =	stream.indirect_vreg.gather [hbm4b:s6+s3], $0x80, v3, vm0, $0xb8;
	[tilespmem:$0x18200] =	vst v63  }
0x1c3: {  	_ =	swait.ge [sflag:s13], $0x6000  }
0x1c4: {  	[sflag:s13] =	ssyncset.done $0x0  }
0x1c5: {  	s4 =	simm.s32 $0xC200;
	s9 =	rddreg [dreg:$0xa];
	[sflag:s13] =	ssyncadd.s32 $0xFFFFA000  }
0x1c6: {  	[hbm4b:s9+s3] =	stream.linear.scatter [tilespmem:s4], [sflag:$0x7], $0x6000, $0x38;
	[tilespmem:$0x18200] =	vst v63  }
0x1c7: {  	_ =	swait.ge [sflag:s14], $0x6000  }
0x1c8: {  	[sflag:s14] =	ssyncset.done $0x0  }
0x1c9: {  	[sflag:s14] =	ssyncadd.s32 $0xFFFFA000  }
0x1ca: {  	v3 =	vld [tilespmem:$0x140];
	_ =	sdelay $0x4  }
0x1cb: {  	v52 =	vshrl.u32 v3, $0x3  }
0x1cc: {  	v4 =	vmul.u32 $0x30, v52  }
0x1cd: {  	v3 =	vand.u32 $0x7, v3  }
0x1ce: {  	v3 =	vor.u32 v3, v4  }
0x1cf: {  	v4 =	vperm.xlane v3, v0;
	_ =	sdelay $0x1  }
0x1d0: {  	v4 =	vadd.s32 v1, v4;
	_ =	sdelay $0x3  }
0x1d1: {  	v3 =	vperm.xlane v3, v2  }
0x1d2: {  	[tilespmem:s4], [sflag:$0x3] =	stream.indirect_vreg.gather [hbm4b:s1+s3], $0x80, v4, vm0, $0xb8;
	[tilespmem:$0x18200] =	vst v63  }
0x1d3: {  	v3 =	vadd.s32 v1, v3  }
0x1d4: {  	[tilespmem:s29], [sflag:$0x3] =	stream.indirect_vreg.gather [hbm4b:s5+s3], $0x80, v4, vm0, $0xb8;
	[tilespmem:$0x18200] =	vst v63  }
0x1d5: {  	_ = 	snop  }
0x1d6: {  	[tilespmem:s21], [sflag:$0x3] =	stream.indirect_vreg.gather [hbm4b:s6+s3], $0x80, v4, vm0, $0xb8;
	[tilespmem:$0x18200] =	vst v63  }
0x1d7: {  	_ = 	snop  }
0x1d8: {  	[tilespmem:s22], [sflag:$0x3] =	stream.indirect_vreg.gather [hbm4b:s1+s3], $0x80, v3, vm0, $0xb8;
	[tilespmem:$0x18200] =	vst v63  }
0x1d9: {  	_ = 	snop  }
0x1da: {  	[tilespmem:s23], [sflag:$0x3] =	stream.indirect_vreg.gather [hbm4b:s5+s3], $0x80, v3, vm0, $0xb8;
	[tilespmem:$0x18200] =	vst v63  }
0x1db: {  	s17 =	simm.s32 $0xEA00  }
0x1dc: {  	[tilespmem:s17], [sflag:$0x3] =	stream.indirect_vreg.gather [hbm4b:s6+s3], $0x80, v3, vm0, $0xb8;
	[tilespmem:$0x18200] =	vst v63  }
0x1dd: {  	v3 =	vld [tilespmem:$0x150];
	_ =	sdelay $0x4  }
0x1de: {  	v53 =	vshrl.u32 v3, $0x3  }
0x1df: {  	v4 =	vmul.u32 $0x30, v53  }
0x1e0: {  	v3 =	vand.u32 $0x7, v3  }
0x1e1: {  	v3 =	vor.u32 v3, v4  }
0x1e2: {  	v4 =	vperm.xlane v3, v0;
	_ =	sdelay $0x1  }
0x1e3: {  	v4 =	vadd.s32 v1, v4;
	_ =	sdelay $0x3  }
0x1e4: {  	s21 =	simm.s32 $0xF200;
	v3 =	vperm.xlane v3, v2  }
0x1e5: {  	[tilespmem:s21], [sflag:$0x3] =	stream.indirect_vreg.gather [hbm4b:s1+s3], $0x80, v4, vm0, $0xb8;
	[tilespmem:$0x18200] =	vst v63  }
0x1e6: {  	v3 =	vadd.s32 v1, v3  }
0x1e7: {  	[tilespmem:s24], [sflag:$0x3] =	stream.indirect_vreg.gather [hbm4b:s5+s3], $0x80, v4, vm0, $0xb8;
	[tilespmem:$0x18200] =	vst v63  }
0x1e8: {  	_ = 	snop  }
0x1e9: {  	[tilespmem:s25], [sflag:$0x3] =	stream.indirect_vreg.gather [hbm4b:s6+s3], $0x80, v4, vm0, $0xb8;
	[tilespmem:$0x18200] =	vst v63  }
0x1ea: {  	_ = 	snop  }
0x1eb: {  	[tilespmem:s26], [sflag:$0x3] =	stream.indirect_vreg.gather [hbm4b:s1+s3], $0x80, v3, vm0, $0xb8;
	[tilespmem:$0x18200] =	vst v63  }
0x1ec: {  	_ = 	snop  }
0x1ed: {  	[tilespmem:s28], [sflag:$0x3] =	stream.indirect_vreg.gather [hbm4b:s5+s3], $0x80, v3, vm0, $0xb8;
	[tilespmem:$0x18200] =	vst v63  }
0x1ee: {  	s22 =	simm.s32 $0x11A00  }
0x1ef: {  	[tilespmem:s22], [sflag:$0x3] =	stream.indirect_vreg.gather [hbm4b:s6+s3], $0x80, v3, vm0, $0xb8;
	[tilespmem:$0x18200] =	vst v63  }
0x1f0: {  	_ =	swait.ge [sflag:s15], $0x6000  }
0x1f1: {  	[sflag:s15] =	ssyncset.done $0x0  }
0x1f2: {  	s4 =	rddreg [dreg:$0xb];
	[sflag:s15] =	ssyncadd.s32 $0xFFFFA000  }
0x1f3: {  	[hbm4b:s4+s3] =	stream.linear.scatter [tilespmem:s0], [sflag:$0x8], $0x6000, $0x38;
	[tilespmem:$0x18200] =	vst v63  }
0x1f4: {  	_ =	swait.ge [sflag:s16], $0x6000  }
0x1f5: {  	[sflag:s16] =	ssyncset.done $0x0  }
0x1f6: {  	[sflag:s16] =	ssyncadd.s32 $0xFFFFA000  }
0x1f7: {  	v3 =	vld [tilespmem:$0x160];
	_ =	sdelay $0x4  }
0x1f8: {  	v54 =	vshrl.u32 v3, $0x3  }
0x1f9: {  	v4 =	vmul.u32 $0x30, v54  }
0x1fa: {  	v3 =	vand.u32 $0x7, v3  }
0x1fb: {  	v3 =	vor.u32 v3, v4  }
0x1fc: {  	v4 =	vperm.xlane v3, v0;
	_ =	sdelay $0x1  }
0x1fd: {  	v4 =	vadd.s32 v1, v4;
	_ =	sdelay $0x3  }
0x1fe: {  	v3 =	vperm.xlane v3, v2  }
0x1ff: {  	[tilespmem:s0], [sflag:$0x4] =	stream.indirect_vreg.gather [hbm4b:s1+s3], $0x80, v4, vm0, $0xb8;
	[tilespmem:$0x18200] =	vst v63  }
0x200: {  	s21 =	simm.s32 $0x12A00;
	v3 =	vadd.s32 v1, v3  }
0x201: {  	[tilespmem:s21], [sflag:$0x4] =	stream.indirect_vreg.gather [hbm4b:s5+s3], $0x80, v4, vm0, $0xb8;
	[tilespmem:$0x18200] =	vst v63  }
0x202: {  	s22 =	simm.s32 $0x13200  }
0x203: {  	[tilespmem:s22], [sflag:$0x4] =	stream.indirect_vreg.gather [hbm4b:s6+s3], $0x80, v4, vm0, $0xb8;
	[tilespmem:$0x18200] =	vst v63  }
0x204: {  	s2 =	simm.s32 $0x13A00  }
0x205: {  	[tilespmem:s2], [sflag:$0x4] =	stream.indirect_vreg.gather [hbm4b:s1+s3], $0x80, v3, vm0, $0xb8;
	[tilespmem:$0x18200] =	vst v63  }
0x206: {  	s17 =	simm.s32 $0x14200  }
0x207: {  	[tilespmem:s17], [sflag:$0x4] =	stream.indirect_vreg.gather [hbm4b:s5+s3], $0x80, v3, vm0, $0xb8;
	[tilespmem:$0x18200] =	vst v63  }
0x208: {  	s17 =	simm.s32 $0x14A00  }
0x209: {  	[tilespmem:s17], [sflag:$0x4] =	stream.indirect_vreg.gather [hbm4b:s6+s3], $0x80, v3, vm0, $0xb8;
	[tilespmem:$0x18200] =	vst v63  }
0x20a: {  	v3 =	vld [tilespmem:$0x170];
	_ =	sdelay $0x4  }
0x20b: {  	v55 =	vshrl.u32 v3, $0x3  }
0x20c: {  	v4 =	vmul.u32 $0x30, v55  }
0x20d: {  	v3 =	vand.u32 $0x7, v3  }
0x20e: {  	v3 =	vor.u32 v3, v4  }
0x20f: {  	v4 =	vperm.xlane v3, v0;
	_ =	sdelay $0x1  }
0x210: {  	v4 =	vadd.s32 v1, v4;
	_ =	sdelay $0x3  }
0x211: {  	s17 =	simm.s32 $0x15200;
	v3 =	vperm.xlane v3, v2  }
0x212: {  	[tilespmem:s17], [sflag:$0x4] =	stream.indirect_vreg.gather [hbm4b:s1+s3], $0x80, v4, vm0, $0xb8;
	[tilespmem:$0x18200] =	vst v63  }
0x213: {  	v3 =	vadd.s32 v1, v3;
	s17 =	simm.s32 $0x15A00  }
0x214: {  	[tilespmem:s17], [sflag:$0x4] =	stream.indirect_vreg.gather [hbm4b:s5+s3], $0x80, v4, vm0, $0xb8;
	[tilespmem:$0x18200] =	vst v63  }
0x215: {  	s17 =	simm.s32 $0x16200  }
0x216: {  	[tilespmem:s17], [sflag:$0x4] =	stream.indirect_vreg.gather [hbm4b:s6+s3], $0x80, v4, vm0, $0xb8;
	[tilespmem:$0x18200] =	vst v63  }
0x217: {  	s17 =	simm.s32 $0x16A00  }
0x218: {  	[tilespmem:s17], [sflag:$0x4] =	stream.indirect_vreg.gather [hbm4b:s1+s3], $0x80, v3, vm0, $0xb8;
	[tilespmem:$0x18200] =	vst v63  }
0x219: {  	s17 =	simm.s32 $0x17200  }
0x21a: {  	[tilespmem:s17], [sflag:$0x4] =	stream.indirect_vreg.gather [hbm4b:s5+s3], $0x80, v3, vm0, $0xb8;
	[tilespmem:$0x18200] =	vst v63  }
0x21b: {  	s17 =	simm.s32 $0x17A00  }
0x21c: {  	[tilespmem:s17], [sflag:$0x4] =	stream.indirect_vreg.gather [hbm4b:s6+s3], $0x80, v3, vm0, $0xb8;
	[tilespmem:$0x18200] =	vst v63  }
0x21d: {  	_ =	swait.ge [sflag:s8], $0x6000  }
0x21e: {  	[sflag:s8] =	ssyncset.done $0x0  }
0x21f: {  	s4 =	simm.s32 $0x200;
	s17 =	rddreg [dreg:$0xc];
	[sflag:s8] =	ssyncadd.s32 $0xFFFFA000  }
0x220: {  	[hbm4b:s17+s3] =	stream.linear.scatter [tilespmem:s4], [sflag:$0x5], $0x6000, $0x38;
	[tilespmem:$0x18200] =	vst v63  }
0x221: {  	_ =	swait.ge [sflag:s10], $0x6000  }
0x222: {  	[sflag:s10] =	ssyncset.done $0x0  }
0x223: {  	[sflag:s10] =	ssyncadd.s32 $0xFFFFA000  }
0x224: {  	v3 =	vld [tilespmem:$0x180];
	_ =	sdelay $0x4  }
0x225: {  	v56 =	vshrl.u32 v3, $0x3  }
0x226: {  	v4 =	vmul.u32 $0x30, v56  }
0x227: {  	v3 =	vand.u32 $0x7, v3  }
0x228: {  	v3 =	vor.u32 v3, v4  }
0x229: {  	v4 =	vperm.xlane v3, v0;
	_ =	sdelay $0x1  }
0x22a: {  	v4 =	vadd.s32 v1, v4;
	_ =	sdelay $0x3  }
0x22b: {  	v3 =	vperm.xlane v3, v2  }
0x22c: {  	[tilespmem:s4], [sflag:$0x1] =	stream.indirect_vreg.gather [hbm4b:s1+s3], $0x80, v4, vm0, $0xb8;
	[tilespmem:$0x18200] =	vst v63  }
0x22d: {  	s17 =	simm.s32 $0xA00;
	v3 =	vadd.s32 v1, v3  }
0x22e: {  	[tilespmem:s17], [sflag:$0x1] =	stream.indirect_vreg.gather [hbm4b:s5+s3], $0x80, v4, vm0, $0xb8;
	[tilespmem:$0x18200] =	vst v63  }
0x22f: {  	s17 =	simm.s32 $0x1200  }
0x230: {  	[tilespmem:s17], [sflag:$0x1] =	stream.indirect_vreg.gather [hbm4b:s6+s3], $0x80, v4, vm0, $0xb8;
	[tilespmem:$0x18200] =	vst v63  }
0x231: {  	s17 =	simm.s32 $0x1A00  }
0x232: {  	[tilespmem:s17], [sflag:$0x1] =	stream.indirect_vreg.gather [hbm4b:s1+s3], $0x80, v3, vm0, $0xb8;
	[tilespmem:$0x18200] =	vst v63  }
0x233: {  	s17 =	simm.s32 $0x2200  }
0x234: {  	[tilespmem:s17], [sflag:$0x1] =	stream.indirect_vreg.gather [hbm4b:s5+s3], $0x80, v3, vm0, $0xb8;
	[tilespmem:$0x18200] =	vst v63  }
0x235: {  	s17 =	simm.s32 $0x2A00  }
0x236: {  	[tilespmem:s17], [sflag:$0x1] =	stream.indirect_vreg.gather [hbm4b:s6+s3], $0x80, v3, vm0, $0xb8;
	[tilespmem:$0x18200] =	vst v63  }
0x237: {  	v3 =	vld [tilespmem:$0x190];
	_ =	sdelay $0x4  }
0x238: {  	v57 =	vshrl.u32 v3, $0x3  }
0x239: {  	v4 =	vmul.u32 $0x30, v57  }
0x23a: {  	v3 =	vand.u32 $0x7, v3  }
0x23b: {  	v3 =	vor.u32 v3, v4  }
0x23c: {  	v4 =	vperm.xlane v3, v0;
	_ =	sdelay $0x1  }
0x23d: {  	v4 =	vadd.s32 v1, v4;
	_ =	sdelay $0x3  }
0x23e: {  	s17 =	simm.s32 $0x3200;
	v3 =	vperm.xlane v3, v2  }
0x23f: {  	[tilespmem:s17], [sflag:$0x1] =	stream.indirect_vreg.gather [hbm4b:s1+s3], $0x80, v4, vm0, $0xb8;
	[tilespmem:$0x18200] =	vst v63  }
0x240: {  	v3 =	vadd.s32 v1, v3;
	s17 =	simm.s32 $0x3A00  }
0x241: {  	[tilespmem:s17], [sflag:$0x1] =	stream.indirect_vreg.gather [hbm4b:s5+s3], $0x80, v4, vm0, $0xb8;
	[tilespmem:$0x18200] =	vst v63  }
0x242: {  	s17 =	simm.s32 $0x4200  }
0x243: {  	[tilespmem:s17], [sflag:$0x1] =	stream.indirect_vreg.gather [hbm4b:s6+s3], $0x80, v4, vm0, $0xb8;
	[tilespmem:$0x18200] =	vst v63  }
0x244: {  	s17 =	simm.s32 $0x4A00  }
0x245: {  	[tilespmem:s17], [sflag:$0x1] =	stream.indirect_vreg.gather [hbm4b:s1+s3], $0x80, v3, vm0, $0xb8;
	[tilespmem:$0x18200] =	vst v63  }
0x246: {  	s20 =	simm.s32 $0x5200  }
0x247: {  	[tilespmem:s20], [sflag:$0x1] =	stream.indirect_vreg.gather [hbm4b:s5+s3], $0x80, v3, vm0, $0xb8;
	[tilespmem:$0x18200] =	vst v63  }
0x248: {  	s20 =	simm.s32 $0x5A00  }
0x249: {  	[tilespmem:s20], [sflag:$0x1] =	stream.indirect_vreg.gather [hbm4b:s6+s3], $0x80, v3, vm0, $0xb8;
	[tilespmem:$0x18200] =	vst v63  }
0x24a: {  	_ =	swait.ge [sflag:s11], $0x6000  }
0x24b: {  	[sflag:s11] =	ssyncset.done $0x0  }
0x24c: {  	s20 =	simm.s32 $0x6200;
	s17 =	rddreg [dreg:$0xd];
	[sflag:s11] =	ssyncadd.s32 $0xFFFFA000  }
0x24d: {  	[hbm4b:s17+s3] =	stream.linear.scatter [tilespmem:s20], [sflag:$0x6], $0x6000, $0x38;
	[tilespmem:$0x18200] =	vst v63  }
0x24e: {  	_ =	swait.ge [sflag:s12], $0x6000  }
0x24f: {  	[sflag:s12] =	ssyncset.done $0x0  }
0x250: {  	[sflag:s12] =	ssyncadd.s32 $0xFFFFA000  }
0x251: {  	v3 =	vld [tilespmem:$0x1A0];
	_ =	sdelay $0x4  }
0x252: {  	v58 =	vshrl.u32 v3, $0x3  }
0x253: {  	v4 =	vmul.u32 $0x30, v58  }
0x254: {  	v3 =	vand.u32 $0x7, v3  }
0x255: {  	v3 =	vor.u32 v3, v4  }
0x256: {  	v4 =	vperm.xlane v3, v0;
	_ =	sdelay $0x1  }
0x257: {  	v4 =	vadd.s32 v1, v4;
	_ =	sdelay $0x3  }
0x258: {  	v3 =	vperm.xlane v3, v2  }
0x259: {  	[tilespmem:s20], [sflag:$0x2] =	stream.indirect_vreg.gather [hbm4b:s1+s3], $0x80, v4, vm0, $0xb8;
	[tilespmem:$0x18200] =	vst v63  }
0x25a: {  	s17 =	simm.s32 $0x6A00;
	v3 =	vadd.s32 v1, v3  }
0x25b: {  	[tilespmem:s17], [sflag:$0x2] =	stream.indirect_vreg.gather [hbm4b:s5+s3], $0x80, v4, vm0, $0xb8;
	[tilespmem:$0x18200] =	vst v63  }
0x25c: {  	s17 =	simm.s32 $0x7200  }
0x25d: {  	[tilespmem:s17], [sflag:$0x2] =	stream.indirect_vreg.gather [hbm4b:s6+s3], $0x80, v4, vm0, $0xb8;
	[tilespmem:$0x18200] =	vst v63  }
0x25e: {  	s17 =	simm.s32 $0x7A00  }
0x25f: {  	[tilespmem:s17], [sflag:$0x2] =	stream.indirect_vreg.gather [hbm4b:s1+s3], $0x80, v3, vm0, $0xb8;
	[tilespmem:$0x18200] =	vst v63  }
0x260: {  	s17 =	simm.s32 $0x8200  }
0x261: {  	[tilespmem:s17], [sflag:$0x2] =	stream.indirect_vreg.gather [hbm4b:s5+s3], $0x80, v3, vm0, $0xb8;
	[tilespmem:$0x18200] =	vst v63  }
0x262: {  	s17 =	simm.s32 $0x8A00  }
0x263: {  	[tilespmem:s17], [sflag:$0x2] =	stream.indirect_vreg.gather [hbm4b:s6+s3], $0x80, v3, vm0, $0xb8;
	[tilespmem:$0x18200] =	vst v63  }
0x264: {  	v3 =	vld [tilespmem:$0x1B0];
	_ =	sdelay $0x4  }
0x265: {  	v59 =	vshrl.u32 v3, $0x3  }
0x266: {  	v4 =	vmul.u32 $0x30, v59  }
0x267: {  	v3 =	vand.u32 $0x7, v3  }
0x268: {  	v3 =	vor.u32 v3, v4  }
0x269: {  	v4 =	vperm.xlane v3, v0;
	_ =	sdelay $0x1  }
0x26a: {  	v4 =	vadd.s32 v1, v4;
	_ =	sdelay $0x3  }
0x26b: {  	s17 =	simm.s32 $0x9200;
	v3 =	vperm.xlane v3, v2  }
0x26c: {  	[tilespmem:s17], [sflag:$0x2] =	stream.indirect_vreg.gather [hbm4b:s1+s3], $0x80, v4, vm0, $0xb8;
	[tilespmem:$0x18200] =	vst v63  }
0x26d: {  	v3 =	vadd.s32 v1, v3;
	s17 =	simm.s32 $0x9A00  }
0x26e: {  	[tilespmem:s17], [sflag:$0x2] =	stream.indirect_vreg.gather [hbm4b:s5+s3], $0x80, v4, vm0, $0xb8;
	[tilespmem:$0x18200] =	vst v63  }
0x26f: {  	s30 =	simm.s32 $0xA200  }
0x270: {  	[tilespmem:s30], [sflag:$0x2] =	stream.indirect_vreg.gather [hbm4b:s6+s3], $0x80, v4, vm0, $0xb8;
	[tilespmem:$0x18200] =	vst v63  }
0x271: {  	s31 =	simm.s32 $0xAA00  }
0x272: {  	[tilespmem:s31], [sflag:$0x2] =	stream.indirect_vreg.gather [hbm4b:s1+s3], $0x80, v3, vm0, $0xb8;
	[tilespmem:$0x18200] =	vst v63  }
0x273: {  	s18 =	simm.s32 $0xB200  }
0x274: {  	[tilespmem:s18], [sflag:$0x2] =	stream.indirect_vreg.gather [hbm4b:s5+s3], $0x80, v3, vm0, $0xb8;
	[tilespmem:$0x18200] =	vst v63  }
0x275: {  	s19 =	simm.s32 $0xBA00  }
0x276: {  	[tilespmem:s19], [sflag:$0x2] =	stream.indirect_vreg.gather [hbm4b:s6+s3], $0x80, v3, vm0, $0xb8;
	[tilespmem:$0x18200] =	vst v63  }
0x277: {  	_ =	swait.ge [sflag:s13], $0x6000  }
0x278: {  	[sflag:s13] =	ssyncset.done $0x0  }
0x279: {  	s31 =	simm.s32 $0xC200;
	s30 =	rddreg [dreg:$0xe];
	[sflag:s13] =	ssyncadd.s32 $0xFFFFA000  }
0x27a: {  	[hbm4b:s30+s3] =	stream.linear.scatter [tilespmem:s31], [sflag:$0x7], $0x6000, $0x38;
	[tilespmem:$0x18200] =	vst v63  }
0x27b: {  	_ =	swait.ge [sflag:s14], $0x6000  }
0x27c: {  	[sflag:s14] =	ssyncset.done $0x0  }
0x27d: {  	[sflag:s14] =	ssyncadd.s32 $0xFFFFA000  }
0x27e: {  	v3 =	vld [tilespmem:$0x1C0];
	_ =	sdelay $0x4  }
0x27f: {  	v60 =	vshrl.u32 v3, $0x3  }
0x280: {  	v4 =	vmul.u32 $0x30, v60  }
0x281: {  	v3 =	vand.u32 $0x7, v3  }
0x282: {  	v3 =	vor.u32 v3, v4  }
0x283: {  	v4 =	vperm.xlane v3, v0;
	_ =	sdelay $0x1  }
0x284: {  	v4 =	vadd.s32 v1, v4;
	_ =	sdelay $0x3  }
0x285: {  	v3 =	vperm.xlane v3, v2  }
0x286: {  	[tilespmem:s31], [sflag:$0x3] =	stream.indirect_vreg.gather [hbm4b:s1+s3], $0x80, v4, vm0, $0xb8;
	[tilespmem:$0x18200] =	vst v63  }
0x287: {  	s29 =	simm.s32 $0xCA00;
	v3 =	vadd.s32 v1, v3  }
0x288: {  	[tilespmem:s29], [sflag:$0x3] =	stream.indirect_vreg.gather [hbm4b:s5+s3], $0x80, v4, vm0, $0xb8;
	[tilespmem:$0x18200] =	vst v63  }
0x289: {  	s19 =	simm.s32 $0xD200  }
0x28a: {  	[tilespmem:s19], [sflag:$0x3] =	stream.indirect_vreg.gather [hbm4b:s6+s3], $0x80, v4, vm0, $0xb8;
	[tilespmem:$0x18200] =	vst v63  }
0x28b: {  	s9 =	simm.s32 $0xDA00  }
0x28c: {  	[tilespmem:s9], [sflag:$0x3] =	stream.indirect_vreg.gather [hbm4b:s1+s3], $0x80, v3, vm0, $0xb8;
	[tilespmem:$0x18200] =	vst v63  }
0x28d: {  	s23 =	simm.s32 $0xE200  }
0x28e: {  	[tilespmem:s23], [sflag:$0x3] =	stream.indirect_vreg.gather [hbm4b:s5+s3], $0x80, v3, vm0, $0xb8;
	[tilespmem:$0x18200] =	vst v63  }
0x28f: {  	s29 =	simm.s32 $0xEA00  }
0x290: {  	[tilespmem:s29], [sflag:$0x3] =	stream.indirect_vreg.gather [hbm4b:s6+s3], $0x80, v3, vm0, $0xb8;
	[tilespmem:$0x18200] =	vst v63  }
0x291: {  	v3 =	vld [tilespmem:$0x1D0];
	_ =	sdelay $0x4  }
0x292: {  	v61 =	vshrl.u32 v3, $0x3  }
0x293: {  	v4 =	vmul.u32 $0x30, v61  }
0x294: {  	v3 =	vand.u32 $0x7, v3  }
0x295: {  	v3 =	vor.u32 v3, v4  }
0x296: {  	v4 =	vperm.xlane v3, v0;
	_ =	sdelay $0x1  }
0x297: {  	v4 =	vadd.s32 v1, v4;
	_ =	sdelay $0x3  }
0x298: {  	s30 =	simm.s32 $0xF200;
	v3 =	vperm.xlane v3, v2  }
0x299: {  	[tilespmem:s30], [sflag:$0x3] =	stream.indirect_vreg.gather [hbm4b:s1+s3], $0x80, v4, vm0, $0xb8;
	[tilespmem:$0x18200] =	vst v63  }
0x29a: {  	s24 =	simm.s32 $0xFA00;
	v3 =	vadd.s32 v1, v3  }
0x29b: {  	[tilespmem:s24], [sflag:$0x3] =	stream.indirect_vreg.gather [hbm4b:s5+s3], $0x80, v4, vm0, $0xb8;
	[tilespmem:$0x18200] =	vst v63  }
0x29c: {  	s25 =	simm.s32 $0x10200  }
0x29d: {  	[tilespmem:s25], [sflag:$0x3] =	stream.indirect_vreg.gather [hbm4b:s6+s3], $0x80, v4, vm0, $0xb8;
	[tilespmem:$0x18200] =	vst v63  }
0x29e: {  	s26 =	simm.s32 $0x10A00  }
0x29f: {  	[tilespmem:s26], [sflag:$0x3] =	stream.indirect_vreg.gather [hbm4b:s1+s3], $0x80, v3, vm0, $0xb8;
	[tilespmem:$0x18200] =	vst v63  }
0x2a0: {  	s28 =	simm.s32 $0x11200  }
0x2a1: {  	[tilespmem:s28], [sflag:$0x3] =	stream.indirect_vreg.gather [hbm4b:s5+s3], $0x80, v3, vm0, $0xb8;
	[tilespmem:$0x18200] =	vst v63  }
0x2a2: {  	s31 =	simm.s32 $0x11A00  }
0x2a3: {  	[tilespmem:s31], [sflag:$0x3] =	stream.indirect_vreg.gather [hbm4b:s6+s3], $0x80, v3, vm0, $0xb8;
	[tilespmem:$0x18200] =	vst v63  }
0x2a4: {  	_ =	swait.ge [sflag:s15], $0x6000  }
0x2a5: {  	[sflag:s15] =	ssyncset.done $0x0  }
0x2a6: {  	s9 =	rddreg [dreg:$0xf];
	[sflag:s15] =	ssyncadd.s32 $0xFFFFA000  }
0x2a7: {  	[hbm4b:s9+s3] =	stream.linear.scatter [tilespmem:s0], [sflag:$0x8], $0x6000, $0x38;
	[tilespmem:$0x18200] =	vst v63  }
0x2a8: {  	_ =	swait.ge [sflag:s16], $0x6000  }
0x2a9: {  	[sflag:s16] =	ssyncset.done $0x0  }
0x2aa: {  	[sflag:s16] =	ssyncadd.s32 $0xFFFFA000  }
0x2ab: {  	v3 =	vld [tilespmem:$0x1E0];
	_ =	sdelay $0x4  }
0x2ac: {  	v62 =	vshrl.u32 v3, $0x3  }
0x2ad: {  	v4 =	vmul.u32 $0x30, v62  }
0x2ae: {  	v3 =	vand.u32 $0x7, v3  }
0x2af: {  	v3 =	vor.u32 v3, v4  }
0x2b0: {  	v4 =	vperm.xlane v3, v0;
	_ =	sdelay $0x1  }
0x2b1: {  	v4 =	vadd.s32 v1, v4;
	_ =	sdelay $0x3  }
0x2b2: {  	v3 =	vperm.xlane v3, v2  }
0x2b3: {  	[tilespmem:s0], [sflag:$0x4] =	stream.indirect_vreg.gather [hbm4b:s1+s3], $0x80, v4, vm0, $0xb8;
	[tilespmem:$0x18200] =	vst v63  }
0x2b4: {  	v3 =	vadd.s32 v1, v3  }
0x2b5: {  	[tilespmem:s21], [sflag:$0x4] =	stream.indirect_vreg.gather [hbm4b:s5+s3], $0x80, v4, vm0, $0xb8;
	[tilespmem:$0x18200] =	vst v63  }
0x2b6: {  	_ = 	snop  }
0x2b7: {  	[tilespmem:s22], [sflag:$0x4] =	stream.indirect_vreg.gather [hbm4b:s6+s3], $0x80, v4, vm0, $0xb8;
	[tilespmem:$0x18200] =	vst v63  }
0x2b8: {  	_ = 	snop  }
0x2b9: {  	[tilespmem:s2], [sflag:$0x4] =	stream.indirect_vreg.gather [hbm4b:s1+s3], $0x80, v3, vm0, $0xb8;
	[tilespmem:$0x18200] =	vst v63  }
0x2ba: {  	s17 =	simm.s32 $0x14200  }
0x2bb: {  	[tilespmem:s17], [sflag:$0x4] =	stream.indirect_vreg.gather [hbm4b:s5+s3], $0x80, v3, vm0, $0xb8;
	[tilespmem:$0x18200] =	vst v63  }
0x2bc: {  	s19 =	simm.s32 $0x14A00  }
0x2bd: {  	[tilespmem:s19], [sflag:$0x4] =	stream.indirect_vreg.gather [hbm4b:s6+s3], $0x80, v3, vm0, $0xb8;
	[tilespmem:$0x18200] =	vst v63  }
0x2be: {  	v3 =	vld [tilespmem:$0x1F0];
	_ =	sdelay $0x4  }
0x2bf: {  	v63 =	vshrl.u32 v3, $0x3  }
0x2c0: {  	v4 =	vmul.u32 $0x30, v63  }
0x2c1: {  	v3 =	vand.u32 $0x7, v3  }
0x2c2: {  	v3 =	vor.u32 v3, v4  }
0x2c3: {  	v4 =	vperm.xlane v3, v0;
	_ =	sdelay $0x1  }
0x2c4: {  	v4 =	vadd.s32 v1, v4;
	_ =	sdelay $0x3  }
0x2c5: {  	s21 =	simm.s32 $0x15200;
	v3 =	vperm.xlane v3, v2  }
0x2c6: {  	[tilespmem:s21], [sflag:$0x4] =	stream.indirect_vreg.gather [hbm4b:s1+s3], $0x80, v4, vm0, $0xb8;
	[tilespmem:$0x18200] =	vst v63  }
0x2c7: {  	s22 =	simm.s32 $0x15A00;
	v3 =	vadd.s32 v1, v3  }
0x2c8: {  	[tilespmem:s22], [sflag:$0x4] =	stream.indirect_vreg.gather [hbm4b:s5+s3], $0x80, v4, vm0, $0xb8;
	[tilespmem:$0x18200] =	vst v63  }
0x2c9: {  	s23 =	simm.s32 $0x16200  }
0x2ca: {  	[tilespmem:s23], [sflag:$0x4] =	stream.indirect_vreg.gather [hbm4b:s6+s3], $0x80, v4, vm0, $0xb8;
	[tilespmem:$0x18200] =	vst v63  }
0x2cb: {  	s24 =	simm.s32 $0x16A00  }
0x2cc: {  	[tilespmem:s24], [sflag:$0x4] =	stream.indirect_vreg.gather [hbm4b:s1+s3], $0x80, v3, vm0, $0xb8;
	[tilespmem:$0x18200] =	vst v63  }
0x2cd: {  	s25 =	simm.s32 $0x17200  }
0x2ce: {  	[tilespmem:s25], [sflag:$0x4] =	stream.indirect_vreg.gather [hbm4b:s5+s3], $0x80, v3, vm0, $0xb8;
	[tilespmem:$0x18200] =	vst v63  }
0x2cf: {  	s26 =	simm.s32 $0x17A00  }
0x2d0: {  	[tilespmem:s26], [sflag:$0x4] =	stream.indirect_vreg.gather [hbm4b:s6+s3], $0x80, v3, vm0, $0xb8;
	[tilespmem:$0x18200] =	vst v63  }
0x2d1: {  	_ =	swait.ge [sflag:s8], $0x6000  }
0x2d2: {  	[sflag:s8] =	ssyncset.done $0x0  }
0x2d3: {  	s4 =	simm.s32 $0x200;
	s28 =	rddreg [dreg:$0x10];
	[sflag:s8] =	ssyncadd.s32 $0xFFFFA000  }
0x2d4: {  	[hbm4b:s28+s3] =	stream.linear.scatter [tilespmem:s4], [sflag:$0x5], $0x6000, $0x38;
	[tilespmem:$0x18200] =	vst v63  }
0x2d5: {  	_ =	swait.ge [sflag:s11], $0x6000  }
0x2d6: {  	[sflag:s11] =	ssyncset.done $0x0  }
0x2d7: {  	s20 =	simm.s32 $0x6200;
	s29 =	rddreg [dreg:$0x11];
	[sflag:s11] =	ssyncadd.s32 $0xFFFFA000  }
0x2d8: {  	[hbm4b:s29+s3] =	stream.linear.scatter [tilespmem:s20], [sflag:$0x6], $0x6000, $0x38;
	[tilespmem:$0x18200] =	vst v63  }
0x2d9: {  	_ =	swait.ge [sflag:s13], $0x6000  }
0x2da: {  	[sflag:s13] =	ssyncset.done $0x0  }
0x2db: {  	s18 =	simm.s32 $0xC200;
	s30 =	rddreg [dreg:$0x12];
	[sflag:s13] =	ssyncadd.s32 $0xFFFFA000  }
0x2dc: {  	[hbm4b:s30+s3] =	stream.linear.scatter [tilespmem:s18], [sflag:$0x7], $0x6000, $0x38;
	[tilespmem:$0x18200] =	vst v63  }
0x2dd: {  	_ =	swait.ge [sflag:s15], $0x6000  }
0x2de: {  	[sflag:s15] =	ssyncset.done $0x0  }
0x2df: {  	s31 =	rddreg [dreg:$0x13];
	[sflag:s15] =	ssyncadd.s32 $0xFFFFA000  }
0x2e0: {  	[hbm4b:s31+s3] =	stream.linear.scatter [tilespmem:s0], [sflag:$0x8], $0x6000, $0x38;
	[tilespmem:$0x18200] =	vst v63  }
0x2e1: {  	_ =	swait.ge [sflag:s10], $0x6000  }
0x2e2: {  	[sflag:s10] =	ssyncset.done $0x0  }
0x2e3: {  	[sflag:s10] =	ssyncadd.s32 $0xFFFFA000  }
0x2e4: {  	_ =	swait.ge [sflag:s12], $0x6000  }
0x2e5: {  	[sflag:s12] =	ssyncset.done $0x0  }
0x2e6: {  	[sflag:s12] =	ssyncadd.s32 $0xFFFFA000  }
0x2e7: {  	p0 =	sne.s32 s7, $0x1;
	_ =	swait.ge [sflag:s14], $0x6000  }
.Ltmp0:
0x2e8: {  	[sflag:s14] =	ssyncset.done $0x0;
	(pc) =	sbr.rel @p0 .LBB2_1-.Ltmp0, $4  }
0x2e9: {  	[sflag:s14] =	ssyncadd.s32 $0xFFFFA000  }
0x2ea: {  	_ =	swait.ge [sflag:s16], $0x6000  }
0x2eb: {  	[sflag:s16] =	ssyncset.done $0x0  }
0x2ec: {  	s7 =	sadd.s32 $0xFFFFFFFF, s7;
	[sflag:s16] =	ssyncadd.s32 $0xFFFFA000  }
0x2ed: {  	_ =	sfence.sel $0x180000  }
0x2ee: {  	[bflag:$0x0] =	sbarrier.arrive $0xFFFF  }
0x2ef: {  	_ =	strace $0x90000047  }
0x2f0: {  	s0 =	stileid.u32;
	[bflag:$0x2] =	sbarrier.arrive $0xFFFF  }
0x2f1: {  	p0 =	sne.s32 s0, $0x0;
	s0 =	rddreg [dreg:$0x3]  }
0x2f2: {  	s0 =	sadd.s32 @!p0 $0x100000, s0  }
0x2f3: {  	[sflag:s0] =	ssyncadd.tile.s32 @!p0 $0x1;
	_ =	shalt  }
.Lfunc_end2:
_tile_overlayer_lowered:
.L_overlay_start_2:
0x2f4: {  	(tag) =	ssettag $0x2  }
0x2f5: {  	s0 =	rddreg [dreg:$0x0];
	s2 =	stileid.u32  }
0x2f6: {  	s1 =	rddreg [dreg:$0x1];
	p0 =	sne.s32 s2, $0x0  }
0x2f7: {  	s3 =	rddreg [dreg:$0x2];
	[bflag:$0x3] =	sbarrier.arrive $0xFFFF;
	s2 =	simm.s32 @!p0 $0x1C09  }
0x2f8: {  	[timem:s3], [sflag:s2] =	dma.local @!p0 [hbm:s0], s1  }
0x2f9: {  	s0 =	simm.s32 @!p0 $0x9  }
0x2fa: {  	_ =	swait.ge @!p0 [sflag:s0], s1  }
0x2fb: {  	s1 =	ssub.s32 @!p0 $0x0, s1;
	[sflag:s0] =	ssyncset.done @!p0 $0x0  }
0x2fc: {  	[sflag:s0] =	ssyncadd.s32 @!p0 s1  }
0x2fd: {  	[bflag:$0x3] =	sbarrier.arrive $0xFFFF  }
0x2fe: {  	_ =	shalt  }

</sc_bundles>
